<compile_context>
chip_gen: v7x
topology: tpu7x:2x2x1
jax: 0.10.2.dev20260603
libtpu: 0.0.44.dev20260713+nightly
codegen_flags: <defaults>
</compile_context>

<pallas_src>
import functools

import jax
import jax.numpy as jnp
from jax import lax
from jax.experimental import pallas as pl
from jax.experimental.pallas import tpu as pltpu
from jax.experimental.pallas import tpu_sc as plsc

_BATCH = 16384
_NUM_FIELDS = 26
_FIELD_SIZE = 100000
_TOTAL_ROWS = _NUM_FIELDS * _FIELD_SIZE
_NC, _NS, _L = 2, 16, 16
_NW = _NC * _NS
_BPW = _BATCH // _NW
_CHUNKS = _BPW // _L
_N = _NUM_FIELDS * _BPW

_XROWS = 32
_WPAD = ((_TOTAL_ROWS + 1023) // 1024) * 1024


_FH = _NUM_FIELDS // 2
_NH = _FH * _BPW


def _body(x_hbm, w_hbm, b_hbm, out_hbm,
          idx_a, idx_b, gat_a, gat_b, out_v, bias_v,
          sem_a, sem_b, sg_a, sg_b):
    wid = lax.axis_index("s") * _NC + lax.axis_index("c")
    base = wid * _BPW

    def stage(f, dst, sem):
        return pltpu.make_async_copy(
            x_hbm.at[pl.ds(f * _BATCH + base, _BPW)],
            dst.at[pl.ds((f % _FH) * _BPW, _BPW)],
            sem,
        )

    for f in range(_FH):
        stage(f, idx_a, sem_a).start()
    for f in range(_FH):
        stage(_FH + f, idx_b, sem_b).start()

    bias_v[...] = jnp.zeros((_L,), jnp.float32)
    pltpu.sync_copy(b_hbm, bias_v.at[pl.ds(0, 1)])

    for f in range(_FH):
        stage(f, idx_a, sem_a).wait()
    pltpu.async_copy(w_hbm.at[idx_a], gat_a, sg_a)
    for f in range(_FH):
        stage(_FH + f, idx_b, sem_b).wait()
    pltpu.async_copy(w_hbm.at[idx_b], gat_b, sg_b)

    bias_s = jnp.sum(bias_v[...])

    pltpu.make_async_copy(w_hbm.at[idx_a], gat_a, sg_a).wait()

    def reduce_a(c, carry):
        cb = c * _L
        acc = gat_a[pl.ds(cb, _L)]
        for f in range(1, _FH):
            acc = acc + gat_a[pl.ds(f * _BPW + cb, _L)]
        out_v[pl.ds(cb, _L)] = acc + bias_s
        return carry

    lax.fori_loop(0, _CHUNKS, reduce_a, 0)

    pltpu.make_async_copy(w_hbm.at[idx_b], gat_b, sg_b).wait()

    def reduce_b(c, carry):
        cb = c * _L
        acc = gat_b[pl.ds(cb, _L)]
        for f in range(1, _FH):
            acc = acc + gat_b[pl.ds(f * _BPW + cb, _L)]
        out_v[pl.ds(cb, _L)] = out_v[pl.ds(cb, _L)] + acc
        return carry

    lax.fori_loop(0, _CHUNKS, reduce_b, 0)

    pltpu.sync_copy(out_v, out_hbm.at[pl.ds(base, _BPW)])


@functools.cache
def _build():
    mesh = plsc.VectorSubcoreMesh(core_axis_name="c", subcore_axis_name="s")
    return pl.kernel(
        _body,
        out_type=jax.ShapeDtypeStruct((_BATCH,), jnp.float32),
        mesh=mesh,
        scratch_types=[
            pltpu.VMEM((_NH,), jnp.int32),
            pltpu.VMEM((_NH,), jnp.int32),
            pltpu.VMEM((_NH,), jnp.float32),
            pltpu.VMEM((_NH,), jnp.float32),
            pltpu.VMEM((_BPW,), jnp.float32),
            pltpu.VMEM((_L,), jnp.float32),
            pltpu.SemaphoreType.DMA,
            pltpu.SemaphoreType.DMA,
            pltpu.SemaphoreType.DMA,
            pltpu.SemaphoreType.DMA,
        ],
        compiler_params=pltpu.CompilerParams(needs_layout_passes=False),
    )


def kernel(x, fc_weight, bias):
    offs = jnp.arange(_NUM_FIELDS, dtype=jnp.int32) * _FIELD_SIZE
    xt = jnp.pad((x + offs[None, :]).T, ((0, _XROWS - _NUM_FIELDS), (0, 0)))
    x_flat = xt.reshape(_XROWS * _BATCH)
    wp = jnp.pad(fc_weight, ((0, _WPAD - _TOTAL_ROWS), (0, 0)))
    w_flat = wp.reshape(_WPAD)
    out = _build()(x_flat, w_flat, bias)
    return out.reshape(_BATCH, 1)

# --- scband reference (transcript-rebuilt; emitter-appended) ---
"""Pipeline reference for scband-features-linear-50302656971600 (READ-ONLY COPY).

The authoritative reference and input builder live on the scoring server;
editing this copy changes nothing except your own understanding.
"""

import jax, jax.numpy as jnp
import numpy as np

FIELD_DIMS = [100000] * 26
OFFSETS = np.array([0, *np.cumsum(FIELD_DIMS)[:-1]], dtype=np.int64)
TOTAL_ROWS = int(np.sum(FIELD_DIMS))
OUTPUT_DIM = 1
BATCH = 16384


def setup_inputs(seed: int = 0) -> dict:
    key = jax.random.key(seed)
    k1, k2 = jax.random.split(key)
    # per-field raw indices in [0, 100000); offsets applied inside reference
    x = jax.random.randint(k1, (BATCH, len(FIELD_DIMS)), 0, 100000, dtype=jnp.int32)
    fc_weight = jax.random.normal(k2, (TOTAL_ROWS, OUTPUT_DIM), dtype=jnp.float32) * 0.01
    bias = jnp.zeros((OUTPUT_DIM,), dtype=jnp.float32)
    return {"x": x, "fc_weight": fc_weight, "bias": bias}


def reference(x, fc_weight, bias):
    # x = x + offsets (broadcast over batch)
    offsets = jnp.asarray(OFFSETS, dtype=x.dtype)
    idx = x + offsets[None, :]                      # [B, F]
    emb = jnp.take(fc_weight, idx, axis=0)          # [B, F, output_dim] gather
    out = jnp.sum(emb, axis=1) + bias               # [B, output_dim]
    return out

if __name__ == "__main__":
    import jax
    _d = setup_inputs()
    print(jax.jit(kernel)(*tuple(_d.values())))

</pallas_src>

<mosaic_0001>
#map = affine_map<(d0, d1) -> (0)>
module attributes {stable_mosaic.version = 14 : i64} {
  func.func @_body(%arg0: i32, %arg1: i32, %arg2: memref<524288xi32, #tpu.memory_space<hbm>>, %arg3: memref<2600960xf32, #tpu.memory_space<hbm>>, %arg4: memref<1xf32, #tpu.memory_space<hbm>>, %arg5: memref<16384xf32, #tpu.memory_space<hbm>>, %arg6: memref<6656xi32, #tpu.memory_space<vmem>>, %arg7: memref<6656xi32, #tpu.memory_space<vmem>>, %arg8: memref<6656xf32, #tpu.memory_space<vmem>>, %arg9: memref<6656xf32, #tpu.memory_space<vmem>>, %arg10: memref<512xf32, #tpu.memory_space<vmem>>, %arg11: memref<16xf32, #tpu.memory_space<vmem>>, %arg12: memref<!tpu.dma_semaphore, #tpu.memory_space<semaphore_mem>>, %arg13: memref<!tpu.dma_semaphore, #tpu.memory_space<semaphore_mem>>, %arg14: memref<!tpu.dma_semaphore, #tpu.memory_space<semaphore_mem>>, %arg15: memref<!tpu.dma_semaphore, #tpu.memory_space<semaphore_mem>>) attributes {dimension_semantics = [#tpu.dimension_semantics<core_parallel>, #tpu.dimension_semantics<subcore_parallel>], iteration_bounds = array<i64: 2, 16>, scalar_prefetch = 0 : i64, scratch_operands = 10 : i64, tpu.core_type = #tpu.core_type<sc_vector_subcore>, window_params = [{transform_indices = #map}, {transform_indices = #map}, {transform_indices = #map}, {transform_indices = #map}]} {
    %mul3A = arith.constant 2 : i32
    %mul3A_0 = arith.muli %arg1, %mul3A : i32
    %add3A = arith.addi %mul3A_0, %arg0 : i32
    %mul3A_1 = arith.constant 512 : i32
    %mul3A_2 = arith.muli %add3A, %mul3A_1 : i32
    %add3A_3 = arith.constant 0 : i32
    %add3A_4 = arith.addi %add3A_3, %mul3A_2 : i32
    %dma_start3A = arith.constant 0 : i32
    %dma_start3A_5 = tpu.memref_slice %arg6[%dma_start3A] : memref<6656xi32, #tpu.memory_space<vmem>> -> memref<512xi32, #tpu.memory_space<vmem>>
    %dma_start3A_6 = tpu.memref_slice %arg2[%add3A_4] : memref<524288xi32, #tpu.memory_space<hbm>> -> memref<512xi32, #tpu.memory_space<hbm>>
    %dma_start3A_7 = arith.constant 0 : i32
    %dma_start3A_8 = tpu.memref_slice %arg6[%dma_start3A_7] : memref<6656xi32, #tpu.memory_space<vmem>> -> memref<512xi32, #tpu.memory_space<vmem>>
    %dma_start3A_9 = tpu.memref_slice %arg2[%add3A_4] : memref<524288xi32, #tpu.memory_space<hbm>> -> memref<512xi32, #tpu.memory_space<hbm>>
    tpu.enqueue_dma source(%dma_start3A_9 : memref<512xi32, #tpu.memory_space<hbm>>) target(%dma_start3A_8 : memref<512xi32, #tpu.memory_space<vmem>>) target_semaphore(%arg12 : memref<!tpu.dma_semaphore, #tpu.memory_space<semaphore_mem>>)
    %add3A_10 = arith.constant 16384 : i32
    %add3A_11 = arith.addi %add3A_10, %mul3A_2 : i32
    %dma_start3A_12 = arith.constant 512 : i32
    %dma_start3A_13 = tpu.memref_slice %arg6[%dma_start3A_12] : memref<6656xi32, #tpu.memory_space<vmem>> -> memref<512xi32, #tpu.memory_space<vmem>>
    %dma_start3A_14 = tpu.memref_slice %arg2[%add3A_11] : memref<524288xi32, #tpu.memory_space<hbm>> -> memref<512xi32, #tpu.memory_space<hbm>>
    %dma_start3A_15 = arith.constant 512 : i32
    %dma_start3A_16 = tpu.memref_slice %arg6[%dma_start3A_15] : memref<6656xi32, #tpu.memory_space<vmem>> -> memref<512xi32, #tpu.memory_space<vmem>>
    %dma_start3A_17 = tpu.memref_slice %arg2[%add3A_11] : memref<524288xi32, #tpu.memory_space<hbm>> -> memref<512xi32, #tpu.memory_space<hbm>>
    tpu.enqueue_dma source(%dma_start3A_17 : memref<512xi32, #tpu.memory_space<hbm>>) target(%dma_start3A_16 : memref<512xi32, #tpu.memory_space<vmem>>) target_semaphore(%arg12 : memref<!tpu.dma_semaphore, #tpu.memory_space<semaphore_mem>>)
    %add3A_18 = arith.constant 32768 : i32
    %add3A_19 = arith.addi %add3A_18, %mul3A_2 : i32
    %dma_start3A_20 = arith.constant 1024 : i32
    %dma_start3A_21 = tpu.memref_slice %arg6[%dma_start3A_20] : memref<6656xi32, #tpu.memory_space<vmem>> -> memref<512xi32, #tpu.memory_space<vmem>>
    %dma_start3A_22 = tpu.memref_slice %arg2[%add3A_19] : memref<524288xi32, #tpu.memory_space<hbm>> -> memref<512xi32, #tpu.memory_space<hbm>>
    %dma_start3A_23 = arith.constant 1024 : i32
    %dma_start3A_24 = tpu.memref_slice %arg6[%dma_start3A_23] : memref<6656xi32, #tpu.memory_space<vmem>> -> memref<512xi32, #tpu.memory_space<vmem>>
    %dma_start3A_25 = tpu.memref_slice %arg2[%add3A_19] : memref<524288xi32, #tpu.memory_space<hbm>> -> memref<512xi32, #tpu.memory_space<hbm>>
    tpu.enqueue_dma source(%dma_start3A_25 : memref<512xi32, #tpu.memory_space<hbm>>) target(%dma_start3A_24 : memref<512xi32, #tpu.memory_space<vmem>>) target_semaphore(%arg12 : memref<!tpu.dma_semaphore, #tpu.memory_space<semaphore_mem>>)
    %add3A_26 = arith.constant 49152 : i32
    %add3A_27 = arith.addi %add3A_26, %mul3A_2 : i32
    %dma_start3A_28 = arith.constant 1536 : i32
    %dma_start3A_29 = tpu.memref_slice %arg6[%dma_start3A_28] : memref<6656xi32, #tpu.memory_space<vmem>> -> memref<512xi32, #tpu.memory_space<vmem>>
    %dma_start3A_30 = tpu.memref_slice %arg2[%add3A_27] : memref<524288xi32, #tpu.memory_space<hbm>> -> memref<512xi32, #tpu.memory_space<hbm>>
    %dma_start3A_31 = arith.constant 1536 : i32
    %dma_start3A_32 = tpu.memref_slice %arg6[%dma_start3A_31] : memref<6656xi32, #tpu.memory_space<vmem>> -> memref<512xi32, #tpu.memory_space<vmem>>
    %dma_start3A_33 = tpu.memref_slice %arg2[%add3A_27] : memref<524288xi32, #tpu.memory_space<hbm>> -> memref<512xi32, #tpu.memory_space<hbm>>
    tpu.enqueue_dma source(%dma_start3A_33 : memref<512xi32, #tpu.memory_space<hbm>>) target(%dma_start3A_32 : memref<512xi32, #tpu.memory_space<vmem>>) target_semaphore(%arg12 : memref<!tpu.dma_semaphore, #tpu.memory_space<semaphore_mem>>)
    %add3A_34 = arith.constant 65536 : i32
    %add3A_35 = arith.addi %add3A_34, %mul3A_2 : i32
    %dma_start3A_36 = arith.constant 2048 : i32
    %dma_start3A_37 = tpu.memref_slice %arg6[%dma_start3A_36] : memref<6656xi32, #tpu.memory_space<vmem>> -> memref<512xi32, #tpu.memory_space<vmem>>
    %dma_start3A_38 = tpu.memref_slice %arg2[%add3A_35] : memref<524288xi32, #tpu.memory_space<hbm>> -> memref<512xi32, #tpu.memory_space<hbm>>
    %dma_start3A_39 = arith.constant 2048 : i32
    %dma_start3A_40 = tpu.memref_slice %arg6[%dma_start3A_39] : memref<6656xi32, #tpu.memory_space<vmem>> -> memref<512xi32, #tpu.memory_space<vmem>>
    %dma_start3A_41 = tpu.memref_slice %arg2[%add3A_35] : memref<524288xi32, #tpu.memory_space<hbm>> -> memref<512xi32, #tpu.memory_space<hbm>>
    tpu.enqueue_dma source(%dma_start3A_41 : memref<512xi32, #tpu.memory_space<hbm>>) target(%dma_start3A_40 : memref<512xi32, #tpu.memory_space<vmem>>) target_semaphore(%arg12 : memref<!tpu.dma_semaphore, #tpu.memory_space<semaphore_mem>>)
    %add3A_42 = arith.constant 81920 : i32
    %add3A_43 = arith.addi %add3A_42, %mul3A_2 : i32
    %dma_start3A_44 = arith.constant 2560 : i32
    %dma_start3A_45 = tpu.memref_slice %arg6[%dma_start3A_44] : memref<6656xi32, #tpu.memory_space<vmem>> -> memref<512xi32, #tpu.memory_space<vmem>>
    %dma_start3A_46 = tpu.memref_slice %arg2[%add3A_43] : memref<524288xi32, #tpu.memory_space<hbm>> -> memref<512xi32, #tpu.memory_space<hbm>>
    %dma_start3A_47 = arith.constant 2560 : i32
    %dma_start3A_48 = tpu.memref_slice %arg6[%dma_start3A_47] : memref<6656xi32, #tpu.memory_space<vmem>> -> memref<512xi32, #tpu.memory_space<vmem>>
    %dma_start3A_49 = tpu.memref_slice %arg2[%add3A_43] : memref<524288xi32, #tpu.memory_space<hbm>> -> memref<512xi32, #tpu.memory_space<hbm>>
    tpu.enqueue_dma source(%dma_start3A_49 : memref<512xi32, #tpu.memory_space<hbm>>) target(%dma_start3A_48 : memref<512xi32, #tpu.memory_space<vmem>>) target_semaphore(%arg12 : memref<!tpu.dma_semaphore, #tpu.memory_space<semaphore_mem>>)
    %add3A_50 = arith.constant 98304 : i32
    %add3A_51 = arith.addi %add3A_50, %mul3A_2 : i32
    %dma_start3A_52 = arith.constant 3072 : i32
    %dma_start3A_53 = tpu.memref_slice %arg6[%dma_start3A_52] : memref<6656xi32, #tpu.memory_space<vmem>> -> memref<512xi32, #tpu.memory_space<vmem>>
    %dma_start3A_54 = tpu.memref_slice %arg2[%add3A_51] : memref<524288xi32, #tpu.memory_space<hbm>> -> memref<512xi32, #tpu.memory_space<hbm>>
    %dma_start3A_55 = arith.constant 3072 : i32
    %dma_start3A_56 = tpu.memref_slice %arg6[%dma_start3A_55] : memref<6656xi32, #tpu.memory_space<vmem>> -> memref<512xi32, #tpu.memory_space<vmem>>
    %dma_start3A_57 = tpu.memref_slice %arg2[%add3A_51] : memref<524288xi32, #tpu.memory_space<hbm>> -> memref<512xi32, #tpu.memory_space<hbm>>
    tpu.enqueue_dma source(%dma_start3A_57 : memref<512xi32, #tpu.memory_space<hbm>>) target(%dma_start3A_56 : memref<512xi32, #tpu.memory_space<vmem>>) target_semaphore(%arg12 : memref<!tpu.dma_semaphore, #tpu.memory_space<semaphore_mem>>)
    %add3A_58 = arith.constant 114688 : i32
    %add3A_59 = arith.addi %add3A_58, %mul3A_2 : i32
    %dma_start3A_60 = arith.constant 3584 : i32
    %dma_start3A_61 = tpu.memref_slice %arg6[%dma_start3A_60] : memref<6656xi32, #tpu.memory_space<vmem>> -> memref<512xi32, #tpu.memory_space<vmem>>
    %dma_start3A_62 = tpu.memref_slice %arg2[%add3A_59] : memref<524288xi32, #tpu.memory_space<hbm>> -> memref<512xi32, #tpu.memory_space<hbm>>
    %dma_start3A_63 = arith.constant 3584 : i32
    %dma_start3A_64 = tpu.memref_slice %arg6[%dma_start3A_63] : memref<6656xi32, #tpu.memory_space<vmem>> -> memref<512xi32, #tpu.memory_space<vmem>>
    %dma_start3A_65 = tpu.memref_slice %arg2[%add3A_59] : memref<524288xi32, #tpu.memory_space<hbm>> -> memref<512xi32, #tpu.memory_space<hbm>>
    tpu.enqueue_dma source(%dma_start3A_65 : memref<512xi32, #tpu.memory_space<hbm>>) target(%dma_start3A_64 : memref<512xi32, #tpu.memory_space<vmem>>) target_semaphore(%arg12 : memref<!tpu.dma_semaphore, #tpu.memory_space<semaphore_mem>>)
    %add3A_66 = arith.constant 131072 : i32
    %add3A_67 = arith.addi %add3A_66, %mul3A_2 : i32
    %dma_start3A_68 = arith.constant 4096 : i32
    %dma_start3A_69 = tpu.memref_slice %arg6[%dma_start3A_68] : memref<6656xi32, #tpu.memory_space<vmem>> -> memref<512xi32, #tpu.memory_space<vmem>>
    %dma_start3A_70 = tpu.memref_slice %arg2[%add3A_67] : memref<524288xi32, #tpu.memory_space<hbm>> -> memref<512xi32, #tpu.memory_space<hbm>>
    %dma_start3A_71 = arith.constant 4096 : i32
    %dma_start3A_72 = tpu.memref_slice %arg6[%dma_start3A_71] : memref<6656xi32, #tpu.memory_space<vmem>> -> memref<512xi32, #tpu.memory_space<vmem>>
    %dma_start3A_73 = tpu.memref_slice %arg2[%add3A_67] : memref<524288xi32, #tpu.memory_space<hbm>> -> memref<512xi32, #tpu.memory_space<hbm>>
    tpu.enqueue_dma source(%dma_start3A_73 : memref<512xi32, #tpu.memory_space<hbm>>) target(%dma_start3A_72 : memref<512xi32, #tpu.memory_space<vmem>>) target_semaphore(%arg12 : memref<!tpu.dma_semaphore, #tpu.memory_space<semaphore_mem>>)
    %add3A_74 = arith.constant 147456 : i32
    %add3A_75 = arith.addi %add3A_74, %mul3A_2 : i32
    %dma_start3A_76 = arith.constant 4608 : i32
    %dma_start3A_77 = tpu.memref_slice %arg6[%dma_start3A_76] : memref<6656xi32, #tpu.memory_space<vmem>> -> memref<512xi32, #tpu.memory_space<vmem>>
    %dma_start3A_78 = tpu.memref_slice %arg2[%add3A_75] : memref<524288xi32, #tpu.memory_space<hbm>> -> memref<512xi32, #tpu.memory_space<hbm>>
    %dma_start3A_79 = arith.constant 4608 : i32
    %dma_start3A_80 = tpu.memref_slice %arg6[%dma_start3A_79] : memref<6656xi32, #tpu.memory_space<vmem>> -> memref<512xi32, #tpu.memory_space<vmem>>
    %dma_start3A_81 = tpu.memref_slice %arg2[%add3A_75] : memref<524288xi32, #tpu.memory_space<hbm>> -> memref<512xi32, #tpu.memory_space<hbm>>
    tpu.enqueue_dma source(%dma_start3A_81 : memref<512xi32, #tpu.memory_space<hbm>>) target(%dma_start3A_80 : memref<512xi32, #tpu.memory_space<vmem>>) target_semaphore(%arg12 : memref<!tpu.dma_semaphore, #tpu.memory_space<semaphore_mem>>)
    %add3A_82 = arith.constant 163840 : i32
    %add3A_83 = arith.addi %add3A_82, %mul3A_2 : i32
    %dma_start3A_84 = arith.constant 5120 : i32
    %dma_start3A_85 = tpu.memref_slice %arg6[%dma_start3A_84] : memref<6656xi32, #tpu.memory_space<vmem>> -> memref<512xi32, #tpu.memory_space<vmem>>
    %dma_start3A_86 = tpu.memref_slice %arg2[%add3A_83] : memref<524288xi32, #tpu.memory_space<hbm>> -> memref<512xi32, #tpu.memory_space<hbm>>
    %dma_start3A_87 = arith.constant 5120 : i32
    %dma_start3A_88 = tpu.memref_slice %arg6[%dma_start3A_87] : memref<6656xi32, #tpu.memory_space<vmem>> -> memref<512xi32, #tpu.memory_space<vmem>>
    %dma_start3A_89 = tpu.memref_slice %arg2[%add3A_83] : memref<524288xi32, #tpu.memory_space<hbm>> -> memref<512xi32, #tpu.memory_space<hbm>>
    tpu.enqueue_dma source(%dma_start3A_89 : memref<512xi32, #tpu.memory_space<hbm>>) target(%dma_start3A_88 : memref<512xi32, #tpu.memory_space<vmem>>) target_semaphore(%arg12 : memref<!tpu.dma_semaphore, #tpu.memory_space<semaphore_mem>>)
    %add3A_90 = arith.constant 180224 : i32
    %add3A_91 = arith.addi %add3A_90, %mul3A_2 : i32
    %dma_start3A_92 = arith.constant 5632 : i32
    %dma_start3A_93 = tpu.memref_slice %arg6[%dma_start3A_92] : memref<6656xi32, #tpu.memory_space<vmem>> -> memref<512xi32, #tpu.memory_space<vmem>>
    %dma_start3A_94 = tpu.memref_slice %arg2[%add3A_91] : memref<524288xi32, #tpu.memory_space<hbm>> -> memref<512xi32, #tpu.memory_space<hbm>>
    %dma_start3A_95 = arith.constant 5632 : i32
    %dma_start3A_96 = tpu.memref_slice %arg6[%dma_start3A_95] : memref<6656xi32, #tpu.memory_space<vmem>> -> memref<512xi32, #tpu.memory_space<vmem>>
    %dma_start3A_97 = tpu.memref_slice %arg2[%add3A_91] : memref<524288xi32, #tpu.memory_space<hbm>> -> memref<512xi32, #tpu.memory_space<hbm>>
    tpu.enqueue_dma source(%dma_start3A_97 : memref<512xi32, #tpu.memory_space<hbm>>) target(%dma_start3A_96 : memref<512xi32, #tpu.memory_space<vmem>>) target_semaphore(%arg12 : memref<!tpu.dma_semaphore, #tpu.memory_space<semaphore_mem>>)
    %add3A_98 = arith.constant 196608 : i32
    %add3A_99 = arith.addi %add3A_98, %mul3A_2 : i32
    %dma_start3A_100 = arith.constant 6144 : i32
    %dma_start3A_101 = tpu.memref_slice %arg6[%dma_start3A_100] : memref<6656xi32, #tpu.memory_space<vmem>> -> memref<512xi32, #tpu.memory_space<vmem>>
    %dma_start3A_102 = tpu.memref_slice %arg2[%add3A_99] : memref<524288xi32, #tpu.memory_space<hbm>> -> memref<512xi32, #tpu.memory_space<hbm>>
    %dma_start3A_103 = arith.constant 6144 : i32
    %dma_start3A_104 = tpu.memref_slice %arg6[%dma_start3A_103] : memref<6656xi32, #tpu.memory_space<vmem>> -> memref<512xi32, #tpu.memory_space<vmem>>
    %dma_start3A_105 = tpu.memref_slice %arg2[%add3A_99] : memref<524288xi32, #tpu.memory_space<hbm>> -> memref<512xi32, #tpu.memory_space<hbm>>
    tpu.enqueue_dma source(%dma_start3A_105 : memref<512xi32, #tpu.memory_space<hbm>>) target(%dma_start3A_104 : memref<512xi32, #tpu.memory_space<vmem>>) target_semaphore(%arg12 : memref<!tpu.dma_semaphore, #tpu.memory_space<semaphore_mem>>)
    %add3A_106 = arith.constant 212992 : i32
    %add3A_107 = arith.addi %add3A_106, %mul3A_2 : i32
    %dma_start3A_108 = arith.constant 0 : i32
    %dma_start3A_109 = tpu.memref_slice %arg7[%dma_start3A_108] : memref<6656xi32, #tpu.memory_space<vmem>> -> memref<512xi32, #tpu.memory_space<vmem>>
    %dma_start3A_110 = tpu.memref_slice %arg2[%add3A_107] : memref<524288xi32, #tpu.memory_space<hbm>> -> memref<512xi32, #tpu.memory_space<hbm>>
    %dma_start3A_111 = arith.constant 0 : i32
    %dma_start3A_112 = tpu.memref_slice %arg7[%dma_start3A_111] : memref<6656xi32, #tpu.memory_space<vmem>> -> memref<512xi32, #tpu.memory_space<vmem>>
    %dma_start3A_113 = tpu.memref_slice %arg2[%add3A_107] : memref<524288xi32, #tpu.memory_space<hbm>> -> memref<512xi32, #tpu.memory_space<hbm>>
    tpu.enqueue_dma source(%dma_start3A_113 : memref<512xi32, #tpu.memory_space<hbm>>) target(%dma_start3A_112 : memref<512xi32, #tpu.memory_space<vmem>>) target_semaphore(%arg13 : memref<!tpu.dma_semaphore, #tpu.memory_space<semaphore_mem>>)
    %add3A_114 = arith.constant 229376 : i32
    %add3A_115 = arith.addi %add3A_114, %mul3A_2 : i32
    %dma_start3A_116 = arith.constant 512 : i32
    %dma_start3A_117 = tpu.memref_slice %arg7[%dma_start3A_116] : memref<6656xi32, #tpu.memory_space<vmem>> -> memref<512xi32, #tpu.memory_space<vmem>>
    %dma_start3A_118 = tpu.memref_slice %arg2[%add3A_115] : memref<524288xi32, #tpu.memory_space<hbm>> -> memref<512xi32, #tpu.memory_space<hbm>>
    %dma_start3A_119 = arith.constant 512 : i32
    %dma_start3A_120 = tpu.memref_slice %arg7[%dma_start3A_119] : memref<6656xi32, #tpu.memory_space<vmem>> -> memref<512xi32, #tpu.memory_space<vmem>>
    %dma_start3A_121 = tpu.memref_slice %arg2[%add3A_115] : memref<524288xi32, #tpu.memory_space<hbm>> -> memref<512xi32, #tpu.memory_space<hbm>>
    tpu.enqueue_dma source(%dma_start3A_121 : memref<512xi32, #tpu.memory_space<hbm>>) target(%dma_start3A_120 : memref<512xi32, #tpu.memory_space<vmem>>) target_semaphore(%arg13 : memref<!tpu.dma_semaphore, #tpu.memory_space<semaphore_mem>>)
    %add3A_122 = arith.constant 245760 : i32
    %add3A_123 = arith.addi %add3A_122, %mul3A_2 : i32
    %dma_start3A_124 = arith.constant 1024 : i32
    %dma_start3A_125 = tpu.memref_slice %arg7[%dma_start3A_124] : memref<6656xi32, #tpu.memory_space<vmem>> -> memref<512xi32, #tpu.memory_space<vmem>>
    %dma_start3A_126 = tpu.memref_slice %arg2[%add3A_123] : memref<524288xi32, #tpu.memory_space<hbm>> -> memref<512xi32, #tpu.memory_space<hbm>>
    %dma_start3A_127 = arith.constant 1024 : i32
    %dma_start3A_128 = tpu.memref_slice %arg7[%dma_start3A_127] : memref<6656xi32, #tpu.memory_space<vmem>> -> memref<512xi32, #tpu.memory_space<vmem>>
    %dma_start3A_129 = tpu.memref_slice %arg2[%add3A_123] : memref<524288xi32, #tpu.memory_space<hbm>> -> memref<512xi32, #tpu.memory_space<hbm>>
    tpu.enqueue_dma source(%dma_start3A_129 : memref<512xi32, #tpu.memory_space<hbm>>) target(%dma_start3A_128 : memref<512xi32, #tpu.memory_space<vmem>>) target_semaphore(%arg13 : memref<!tpu.dma_semaphore, #tpu.memory_space<semaphore_mem>>)
    %add3A_130 = arith.constant 262144 : i32
    %add3A_131 = arith.addi %add3A_130, %mul3A_2 : i32
    %dma_start3A_132 = arith.constant 1536 : i32
    %dma_start3A_133 = tpu.memref_slice %arg7[%dma_start3A_132] : memref<6656xi32, #tpu.memory_space<vmem>> -> memref<512xi32, #tpu.memory_space<vmem>>
    %dma_start3A_134 = tpu.memref_slice %arg2[%add3A_131] : memref<524288xi32, #tpu.memory_space<hbm>> -> memref<512xi32, #tpu.memory_space<hbm>>
    %dma_start3A_135 = arith.constant 1536 : i32
    %dma_start3A_136 = tpu.memref_slice %arg7[%dma_start3A_135] : memref<6656xi32, #tpu.memory_space<vmem>> -> memref<512xi32, #tpu.memory_space<vmem>>
    %dma_start3A_137 = tpu.memref_slice %arg2[%add3A_131] : memref<524288xi32, #tpu.memory_space<hbm>> -> memref<512xi32, #tpu.memory_space<hbm>>
    tpu.enqueue_dma source(%dma_start3A_137 : memref<512xi32, #tpu.memory_space<hbm>>) target(%dma_start3A_136 : memref<512xi32, #tpu.memory_space<vmem>>) target_semaphore(%arg13 : memref<!tpu.dma_semaphore, #tpu.memory_space<semaphore_mem>>)
    %add3A_138 = arith.constant 278528 : i32
    %add3A_139 = arith.addi %add3A_138, %mul3A_2 : i32
    %dma_start3A_140 = arith.constant 2048 : i32
    %dma_start3A_141 = tpu.memref_slice %arg7[%dma_start3A_140] : memref<6656xi32, #tpu.memory_space<vmem>> -> memref<512xi32, #tpu.memory_space<vmem>>
    %dma_start3A_142 = tpu.memref_slice %arg2[%add3A_139] : memref<524288xi32, #tpu.memory_space<hbm>> -> memref<512xi32, #tpu.memory_space<hbm>>
    %dma_start3A_143 = arith.constant 2048 : i32
    %dma_start3A_144 = tpu.memref_slice %arg7[%dma_start3A_143] : memref<6656xi32, #tpu.memory_space<vmem>> -> memref<512xi32, #tpu.memory_space<vmem>>
    %dma_start3A_145 = tpu.memref_slice %arg2[%add3A_139] : memref<524288xi32, #tpu.memory_space<hbm>> -> memref<512xi32, #tpu.memory_space<hbm>>
    tpu.enqueue_dma source(%dma_start3A_145 : memref<512xi32, #tpu.memory_space<hbm>>) target(%dma_start3A_144 : memref<512xi32, #tpu.memory_space<vmem>>) target_semaphore(%arg13 : memref<!tpu.dma_semaphore, #tpu.memory_space<semaphore_mem>>)
    %add3A_146 = arith.constant 294912 : i32
    %add3A_147 = arith.addi %add3A_146, %mul3A_2 : i32
    %dma_start3A_148 = arith.constant 2560 : i32
    %dma_start3A_149 = tpu.memref_slice %arg7[%dma_start3A_148] : memref<6656xi32, #tpu.memory_space<vmem>> -> memref<512xi32, #tpu.memory_space<vmem>>
    %dma_start3A_150 = tpu.memref_slice %arg2[%add3A_147] : memref<524288xi32, #tpu.memory_space<hbm>> -> memref<512xi32, #tpu.memory_space<hbm>>
    %dma_start3A_151 = arith.constant 2560 : i32
    %dma_start3A_152 = tpu.memref_slice %arg7[%dma_start3A_151] : memref<6656xi32, #tpu.memory_space<vmem>> -> memref<512xi32, #tpu.memory_space<vmem>>
    %dma_start3A_153 = tpu.memref_slice %arg2[%add3A_147] : memref<524288xi32, #tpu.memory_space<hbm>> -> memref<512xi32, #tpu.memory_space<hbm>>
    tpu.enqueue_dma source(%dma_start3A_153 : memref<512xi32, #tpu.memory_space<hbm>>) target(%dma_start3A_152 : memref<512xi32, #tpu.memory_space<vmem>>) target_semaphore(%arg13 : memref<!tpu.dma_semaphore, #tpu.memory_space<semaphore_mem>>)
    %add3A_154 = arith.constant 311296 : i32
    %add3A_155 = arith.addi %add3A_154, %mul3A_2 : i32
    %dma_start3A_156 = arith.constant 3072 : i32
    %dma_start3A_157 = tpu.memref_slice %arg7[%dma_start3A_156] : memref<6656xi32, #tpu.memory_space<vmem>> -> memref<512xi32, #tpu.memory_space<vmem>>
    %dma_start3A_158 = tpu.memref_slice %arg2[%add3A_155] : memref<524288xi32, #tpu.memory_space<hbm>> -> memref<512xi32, #tpu.memory_space<hbm>>
    %dma_start3A_159 = arith.constant 3072 : i32
    %dma_start3A_160 = tpu.memref_slice %arg7[%dma_start3A_159] : memref<6656xi32, #tpu.memory_space<vmem>> -> memref<512xi32, #tpu.memory_space<vmem>>
    %dma_start3A_161 = tpu.memref_slice %arg2[%add3A_155] : memref<524288xi32, #tpu.memory_space<hbm>> -> memref<512xi32, #tpu.memory_space<hbm>>
    tpu.enqueue_dma source(%dma_start3A_161 : memref<512xi32, #tpu.memory_space<hbm>>) target(%dma_start3A_160 : memref<512xi32, #tpu.memory_space<vmem>>) target_semaphore(%arg13 : memref<!tpu.dma_semaphore, #tpu.memory_space<semaphore_mem>>)
    %add3A_162 = arith.constant 327680 : i32
    %add3A_163 = arith.addi %add3A_162, %mul3A_2 : i32
    %dma_start3A_164 = arith.constant 3584 : i32
    %dma_start3A_165 = tpu.memref_slice %arg7[%dma_start3A_164] : memref<6656xi32, #tpu.memory_space<vmem>> -> memref<512xi32, #tpu.memory_space<vmem>>
    %dma_start3A_166 = tpu.memref_slice %arg2[%add3A_163] : memref<524288xi32, #tpu.memory_space<hbm>> -> memref<512xi32, #tpu.memory_space<hbm>>
    %dma_start3A_167 = arith.constant 3584 : i32
    %dma_start3A_168 = tpu.memref_slice %arg7[%dma_start3A_167] : memref<6656xi32, #tpu.memory_space<vmem>> -> memref<512xi32, #tpu.memory_space<vmem>>
    %dma_start3A_169 = tpu.memref_slice %arg2[%add3A_163] : memref<524288xi32, #tpu.memory_space<hbm>> -> memref<512xi32, #tpu.memory_space<hbm>>
    tpu.enqueue_dma source(%dma_start3A_169 : memref<512xi32, #tpu.memory_space<hbm>>) target(%dma_start3A_168 : memref<512xi32, #tpu.memory_space<vmem>>) target_semaphore(%arg13 : memref<!tpu.dma_semaphore, #tpu.memory_space<semaphore_mem>>)
    %add3A_170 = arith.constant 344064 : i32
    %add3A_171 = arith.addi %add3A_170, %mul3A_2 : i32
    %dma_start3A_172 = arith.constant 4096 : i32
    %dma_start3A_173 = tpu.memref_slice %arg7[%dma_start3A_172] : memref<6656xi32, #tpu.memory_space<vmem>> -> memref<512xi32, #tpu.memory_space<vmem>>
    %dma_start3A_174 = tpu.memref_slice %arg2[%add3A_171] : memref<524288xi32, #tpu.memory_space<hbm>> -> memref<512xi32, #tpu.memory_space<hbm>>
    %dma_start3A_175 = arith.constant 4096 : i32
    %dma_start3A_176 = tpu.memref_slice %arg7[%dma_start3A_175] : memref<6656xi32, #tpu.memory_space<vmem>> -> memref<512xi32, #tpu.memory_space<vmem>>
    %dma_start3A_177 = tpu.memref_slice %arg2[%add3A_171] : memref<524288xi32, #tpu.memory_space<hbm>> -> memref<512xi32, #tpu.memory_space<hbm>>
    tpu.enqueue_dma source(%dma_start3A_177 : memref<512xi32, #tpu.memory_space<hbm>>) target(%dma_start3A_176 : memref<512xi32, #tpu.memory_space<vmem>>) target_semaphore(%arg13 : memref<!tpu.dma_semaphore, #tpu.memory_space<semaphore_mem>>)
    %add3A_178 = arith.constant 360448 : i32
    %add3A_179 = arith.addi %add3A_178, %mul3A_2 : i32
    %dma_start3A_180 = arith.constant 4608 : i32
    %dma_start3A_181 = tpu.memref_slice %arg7[%dma_start3A_180] : memref<6656xi32, #tpu.memory_space<vmem>> -> memref<512xi32, #tpu.memory_space<vmem>>
    %dma_start3A_182 = tpu.memref_slice %arg2[%add3A_179] : memref<524288xi32, #tpu.memory_space<hbm>> -> memref<512xi32, #tpu.memory_space<hbm>>
    %dma_start3A_183 = arith.constant 4608 : i32
    %dma_start3A_184 = tpu.memref_slice %arg7[%dma_start3A_183] : memref<6656xi32, #tpu.memory_space<vmem>> -> memref<512xi32, #tpu.memory_space<vmem>>
    %dma_start3A_185 = tpu.memref_slice %arg2[%add3A_179] : memref<524288xi32, #tpu.memory_space<hbm>> -> memref<512xi32, #tpu.memory_space<hbm>>
    tpu.enqueue_dma source(%dma_start3A_185 : memref<512xi32, #tpu.memory_space<hbm>>) target(%dma_start3A_184 : memref<512xi32, #tpu.memory_space<vmem>>) target_semaphore(%arg13 : memref<!tpu.dma_semaphore, #tpu.memory_space<semaphore_mem>>)
    %add3A_186 = arith.constant 376832 : i32
    %add3A_187 = arith.addi %add3A_186, %mul3A_2 : i32
    %dma_start3A_188 = arith.constant 5120 : i32
    %dma_start3A_189 = tpu.memref_slice %arg7[%dma_start3A_188] : memref<6656xi32, #tpu.memory_space<vmem>> -> memref<512xi32, #tpu.memory_space<vmem>>
    %dma_start3A_190 = tpu.memref_slice %arg2[%add3A_187] : memref<524288xi32, #tpu.memory_space<hbm>> -> memref<512xi32, #tpu.memory_space<hbm>>
    %dma_start3A_191 = arith.constant 5120 : i32
    %dma_start3A_192 = tpu.memref_slice %arg7[%dma_start3A_191] : memref<6656xi32, #tpu.memory_space<vmem>> -> memref<512xi32, #tpu.memory_space<vmem>>
    %dma_start3A_193 = tpu.memref_slice %arg2[%add3A_187] : memref<524288xi32, #tpu.memory_space<hbm>> -> memref<512xi32, #tpu.memory_space<hbm>>
    tpu.enqueue_dma source(%dma_start3A_193 : memref<512xi32, #tpu.memory_space<hbm>>) target(%dma_start3A_192 : memref<512xi32, #tpu.memory_space<vmem>>) target_semaphore(%arg13 : memref<!tpu.dma_semaphore, #tpu.memory_space<semaphore_mem>>)
    %add3A_194 = arith.constant 393216 : i32
    %add3A_195 = arith.addi %add3A_194, %mul3A_2 : i32
    %dma_start3A_196 = arith.constant 5632 : i32
    %dma_start3A_197 = tpu.memref_slice %arg7[%dma_start3A_196] : memref<6656xi32, #tpu.memory_space<vmem>> -> memref<512xi32, #tpu.memory_space<vmem>>
    %dma_start3A_198 = tpu.memref_slice %arg2[%add3A_195] : memref<524288xi32, #tpu.memory_space<hbm>> -> memref<512xi32, #tpu.memory_space<hbm>>
    %dma_start3A_199 = arith.constant 5632 : i32
    %dma_start3A_200 = tpu.memref_slice %arg7[%dma_start3A_199] : memref<6656xi32, #tpu.memory_space<vmem>> -> memref<512xi32, #tpu.memory_space<vmem>>
    %dma_start3A_201 = tpu.memref_slice %arg2[%add3A_195] : memref<524288xi32, #tpu.memory_space<hbm>> -> memref<512xi32, #tpu.memory_space<hbm>>
    tpu.enqueue_dma source(%dma_start3A_201 : memref<512xi32, #tpu.memory_space<hbm>>) target(%dma_start3A_200 : memref<512xi32, #tpu.memory_space<vmem>>) target_semaphore(%arg13 : memref<!tpu.dma_semaphore, #tpu.memory_space<semaphore_mem>>)
    %add3A_202 = arith.constant 409600 : i32
    %add3A_203 = arith.addi %add3A_202, %mul3A_2 : i32
    %dma_start3A_204 = arith.constant 6144 : i32
    %dma_start3A_205 = tpu.memref_slice %arg7[%dma_start3A_204] : memref<6656xi32, #tpu.memory_space<vmem>> -> memref<512xi32, #tpu.memory_space<vmem>>
    %dma_start3A_206 = tpu.memref_slice %arg2[%add3A_203] : memref<524288xi32, #tpu.memory_space<hbm>> -> memref<512xi32, #tpu.memory_space<hbm>>
    %dma_start3A_207 = arith.constant 6144 : i32
    %dma_start3A_208 = tpu.memref_slice %arg7[%dma_start3A_207] : memref<6656xi32, #tpu.memory_space<vmem>> -> memref<512xi32, #tpu.memory_space<vmem>>
    %dma_start3A_209 = tpu.memref_slice %arg2[%add3A_203] : memref<524288xi32, #tpu.memory_space<hbm>> -> memref<512xi32, #tpu.memory_space<hbm>>
    tpu.enqueue_dma source(%dma_start3A_209 : memref<512xi32, #tpu.memory_space<hbm>>) target(%dma_start3A_208 : memref<512xi32, #tpu.memory_space<vmem>>) target_semaphore(%arg13 : memref<!tpu.dma_semaphore, #tpu.memory_space<semaphore_mem>>)
    %broadcast_in_dim3A = arith.constant 0.000000e+00 : f32
    %broadcast_in_dim3A_210 = vector.broadcast %broadcast_in_dim3A : f32 to vector<16xf32>
    %swap3A = arith.constant 0 : index
    %swap3A_211 = tpu.vector_load %arg11[%swap3A] {strides = array<i32>} : memref<16xf32, #tpu.memory_space<vmem>>, vector<16xf32>,
    tpu.vector_store %arg11[%swap3A], %broadcast_in_dim3A_210 {strides = array<i32>} : memref<16xf32, #tpu.memory_space<vmem>>, vector<16xf32>,
    "tpu.region"() ({
      %run_scoped3A = tpu.sem_alloc : memref<!tpu.dma_semaphore, #tpu.memory_space<semaphore_mem>>
      %dma_start3A_442 = arith.constant 0 : i32
      %dma_start3A_443 = tpu.memref_slice %arg11[%dma_start3A_442] : memref<16xf32, #tpu.memory_space<vmem>> -> memref<1xf32, #tpu.memory_space<vmem>>
      %dma_start3A_444 = arith.constant 0 : i32
      %dma_start3A_445 = tpu.memref_slice %arg11[%dma_start3A_444] : memref<16xf32, #tpu.memory_space<vmem>> -> memref<1xf32, #tpu.memory_space<vmem>>
      tpu.enqueue_dma source(%arg4 : memref<1xf32, #tpu.memory_space<hbm>>) target(%dma_start3A_445 : memref<1xf32, #tpu.memory_space<vmem>>) target_semaphore(%run_scoped3A : memref<!tpu.dma_semaphore, #tpu.memory_space<semaphore_mem>>)
      %dma_wait3A_446 = arith.constant 0 : i32
      %dma_wait3A_447 = tpu.memref_slice %arg11[%dma_wait3A_446] : memref<16xf32, #tpu.memory_space<vmem>> -> memref<1xf32, #tpu.memory_space<vmem>>
      %dma_wait3A_448 = arith.constant 0 : i32
      %dma_wait3A_449 = tpu.memref_slice %arg11[%dma_wait3A_448] : memref<16xf32, #tpu.memory_space<vmem>> -> memref<1xf32, #tpu.memory_space<vmem>>
      tpu.wait_dma2 semaphore(%run_scoped3A : memref<!tpu.dma_semaphore, #tpu.memory_space<semaphore_mem>>) src(%arg4 : memref<1xf32, #tpu.memory_space<hbm>>) dst(%dma_wait3A_449 : memref<1xf32, #tpu.memory_space<vmem>>)
      tpu.yield
    }) : () -> ()
    %add3A_212 = arith.constant 0 : i32
    %add3A_213 = arith.addi %add3A_212, %mul3A_2 : i32
    %dma_wait3A = arith.constant 0 : i32
    %dma_wait3A_214 = tpu.memref_slice %arg6[%dma_wait3A] : memref<6656xi32, #tpu.memory_space<vmem>> -> memref<512xi32, #tpu.memory_space<vmem>>
    %dma_wait3A_215 = tpu.memref_slice %arg2[%add3A_213] : memref<524288xi32, #tpu.memory_space<hbm>> -> memref<512xi32, #tpu.memory_space<hbm>>
    %dma_wait3A_216 = arith.constant 0 : i32
    %dma_wait3A_217 = tpu.memref_slice %arg6[%dma_wait3A_216] : memref<6656xi32, #tpu.memory_space<vmem>> -> memref<512xi32, #tpu.memory_space<vmem>>
    %dma_wait3A_218 = tpu.memref_slice %arg2[%add3A_213] : memref<524288xi32, #tpu.memory_space<hbm>> -> memref<512xi32, #tpu.memory_space<hbm>>
    tpu.wait_dma2 semaphore(%arg12 : memref<!tpu.dma_semaphore, #tpu.memory_space<semaphore_mem>>) src(%dma_wait3A_218 : memref<512xi32, #tpu.memory_space<hbm>>) dst(%dma_wait3A_217 : memref<512xi32, #tpu.memory_space<vmem>>)
    %add3A_219 = arith.constant 16384 : i32
    %add3A_220 = arith.addi %add3A_219, %mul3A_2 : i32
    %dma_wait3A_221 = arith.constant 512 : i32
    %dma_wait3A_222 = tpu.memref_slice %arg6[%dma_wait3A_221] : memref<6656xi32, #tpu.memory_space<vmem>> -> memref<512xi32, #tpu.memory_space<vmem>>
    %dma_wait3A_223 = tpu.memref_slice %arg2[%add3A_220] : memref<524288xi32, #tpu.memory_space<hbm>> -> memref<512xi32, #tpu.memory_space<hbm>>
    %dma_wait3A_224 = arith.constant 512 : i32
    %dma_wait3A_225 = tpu.memref_slice %arg6[%dma_wait3A_224] : memref<6656xi32, #tpu.memory_space<vmem>> -> memref<512xi32, #tpu.memory_space<vmem>>
    %dma_wait3A_226 = tpu.memref_slice %arg2[%add3A_220] : memref<524288xi32, #tpu.memory_space<hbm>> -> memref<512xi32, #tpu.memory_space<hbm>>
    tpu.wait_dma2 semaphore(%arg12 : memref<!tpu.dma_semaphore, #tpu.memory_space<semaphore_mem>>) src(%dma_wait3A_226 : memref<512xi32, #tpu.memory_space<hbm>>) dst(%dma_wait3A_225 : memref<512xi32, #tpu.memory_space<vmem>>)
    %add3A_227 = arith.constant 32768 : i32
    %add3A_228 = arith.addi %add3A_227, %mul3A_2 : i32
    %dma_wait3A_229 = arith.constant 1024 : i32
    %dma_wait3A_230 = tpu.memref_slice %arg6[%dma_wait3A_229] : memref<6656xi32, #tpu.memory_space<vmem>> -> memref<512xi32, #tpu.memory_space<vmem>>
    %dma_wait3A_231 = tpu.memref_slice %arg2[%add3A_228] : memref<524288xi32, #tpu.memory_space<hbm>> -> memref<512xi32, #tpu.memory_space<hbm>>
    %dma_wait3A_232 = arith.constant 1024 : i32
    %dma_wait3A_233 = tpu.memref_slice %arg6[%dma_wait3A_232] : memref<6656xi32, #tpu.memory_space<vmem>> -> memref<512xi32, #tpu.memory_space<vmem>>
    %dma_wait3A_234 = tpu.memref_slice %arg2[%add3A_228] : memref<524288xi32, #tpu.memory_space<hbm>> -> memref<512xi32, #tpu.memory_space<hbm>>
    tpu.wait_dma2 semaphore(%arg12 : memref<!tpu.dma_semaphore, #tpu.memory_space<semaphore_mem>>) src(%dma_wait3A_234 : memref<512xi32, #tpu.memory_space<hbm>>) dst(%dma_wait3A_233 : memref<512xi32, #tpu.memory_space<vmem>>)
    %add3A_235 = arith.constant 49152 : i32
    %add3A_236 = arith.addi %add3A_235, %mul3A_2 : i32
    %dma_wait3A_237 = arith.constant 1536 : i32
    %dma_wait3A_238 = tpu.memref_slice %arg6[%dma_wait3A_237] : memref<6656xi32, #tpu.memory_space<vmem>> -> memref<512xi32, #tpu.memory_space<vmem>>
    %dma_wait3A_239 = tpu.memref_slice %arg2[%add3A_236] : memref<524288xi32, #tpu.memory_space<hbm>> -> memref<512xi32, #tpu.memory_space<hbm>>
    %dma_wait3A_240 = arith.constant 1536 : i32
    %dma_wait3A_241 = tpu.memref_slice %arg6[%dma_wait3A_240] : memref<6656xi32, #tpu.memory_space<vmem>> -> memref<512xi32, #tpu.memory_space<vmem>>
    %dma_wait3A_242 = tpu.memref_slice %arg2[%add3A_236] : memref<524288xi32, #tpu.memory_space<hbm>> -> memref<512xi32, #tpu.memory_space<hbm>>
    tpu.wait_dma2 semaphore(%arg12 : memref<!tpu.dma_semaphore, #tpu.memory_space<semaphore_mem>>) src(%dma_wait3A_242 : memref<512xi32, #tpu.memory_space<hbm>>) dst(%dma_wait3A_241 : memref<512xi32, #tpu.memory_space<vmem>>)
    %add3A_243 = arith.constant 65536 : i32
    %add3A_244 = arith.addi %add3A_243, %mul3A_2 : i32
    %dma_wait3A_245 = arith.constant 2048 : i32
    %dma_wait3A_246 = tpu.memref_slice %arg6[%dma_wait3A_245] : memref<6656xi32, #tpu.memory_space<vmem>> -> memref<512xi32, #tpu.memory_space<vmem>>
    %dma_wait3A_247 = tpu.memref_slice %arg2[%add3A_244] : memref<524288xi32, #tpu.memory_space<hbm>> -> memref<512xi32, #tpu.memory_space<hbm>>
    %dma_wait3A_248 = arith.constant 2048 : i32
    %dma_wait3A_249 = tpu.memref_slice %arg6[%dma_wait3A_248] : memref<6656xi32, #tpu.memory_space<vmem>> -> memref<512xi32, #tpu.memory_space<vmem>>
    %dma_wait3A_250 = tpu.memref_slice %arg2[%add3A_244] : memref<524288xi32, #tpu.memory_space<hbm>> -> memref<512xi32, #tpu.memory_space<hbm>>
    tpu.wait_dma2 semaphore(%arg12 : memref<!tpu.dma_semaphore, #tpu.memory_space<semaphore_mem>>) src(%dma_wait3A_250 : memref<512xi32, #tpu.memory_space<hbm>>) dst(%dma_wait3A_249 : memref<512xi32, #tpu.memory_space<vmem>>)
    %add3A_251 = arith.constant 81920 : i32
    %add3A_252 = arith.addi %add3A_251, %mul3A_2 : i32
    %dma_wait3A_253 = arith.constant 2560 : i32
    %dma_wait3A_254 = tpu.memref_slice %arg6[%dma_wait3A_253] : memref<6656xi32, #tpu.memory_space<vmem>> -> memref<512xi32, #tpu.memory_space<vmem>>
    %dma_wait3A_255 = tpu.memref_slice %arg2[%add3A_252] : memref<524288xi32, #tpu.memory_space<hbm>> -> memref<512xi32, #tpu.memory_space<hbm>>
    %dma_wait3A_256 = arith.constant 2560 : i32
    %dma_wait3A_257 = tpu.memref_slice %arg6[%dma_wait3A_256] : memref<6656xi32, #tpu.memory_space<vmem>> -> memref<512xi32, #tpu.memory_space<vmem>>
    %dma_wait3A_258 = tpu.memref_slice %arg2[%add3A_252] : memref<524288xi32, #tpu.memory_space<hbm>> -> memref<512xi32, #tpu.memory_space<hbm>>
    tpu.wait_dma2 semaphore(%arg12 : memref<!tpu.dma_semaphore, #tpu.memory_space<semaphore_mem>>) src(%dma_wait3A_258 : memref<512xi32, #tpu.memory_space<hbm>>) dst(%dma_wait3A_257 : memref<512xi32, #tpu.memory_space<vmem>>)
    %add3A_259 = arith.constant 98304 : i32
    %add3A_260 = arith.addi %add3A_259, %mul3A_2 : i32
    %dma_wait3A_261 = arith.constant 3072 : i32
    %dma_wait3A_262 = tpu.memref_slice %arg6[%dma_wait3A_261] : memref<6656xi32, #tpu.memory_space<vmem>> -> memref<512xi32, #tpu.memory_space<vmem>>
    %dma_wait3A_263 = tpu.memref_slice %arg2[%add3A_260] : memref<524288xi32, #tpu.memory_space<hbm>> -> memref<512xi32, #tpu.memory_space<hbm>>
    %dma_wait3A_264 = arith.constant 3072 : i32
    %dma_wait3A_265 = tpu.memref_slice %arg6[%dma_wait3A_264] : memref<6656xi32, #tpu.memory_space<vmem>> -> memref<512xi32, #tpu.memory_space<vmem>>
    %dma_wait3A_266 = tpu.memref_slice %arg2[%add3A_260] : memref<524288xi32, #tpu.memory_space<hbm>> -> memref<512xi32, #tpu.memory_space<hbm>>
    tpu.wait_dma2 semaphore(%arg12 : memref<!tpu.dma_semaphore, #tpu.memory_space<semaphore_mem>>) src(%dma_wait3A_266 : memref<512xi32, #tpu.memory_space<hbm>>) dst(%dma_wait3A_265 : memref<512xi32, #tpu.memory_space<vmem>>)
    %add3A_267 = arith.constant 114688 : i32
    %add3A_268 = arith.addi %add3A_267, %mul3A_2 : i32
    %dma_wait3A_269 = arith.constant 3584 : i32
    %dma_wait3A_270 = tpu.memref_slice %arg6[%dma_wait3A_269] : memref<6656xi32, #tpu.memory_space<vmem>> -> memref<512xi32, #tpu.memory_space<vmem>>
    %dma_wait3A_271 = tpu.memref_slice %arg2[%add3A_268] : memref<524288xi32, #tpu.memory_space<hbm>> -> memref<512xi32, #tpu.memory_space<hbm>>
    %dma_wait3A_272 = arith.constant 3584 : i32
    %dma_wait3A_273 = tpu.memref_slice %arg6[%dma_wait3A_272] : memref<6656xi32, #tpu.memory_space<vmem>> -> memref<512xi32, #tpu.memory_space<vmem>>
    %dma_wait3A_274 = tpu.memref_slice %arg2[%add3A_268] : memref<524288xi32, #tpu.memory_space<hbm>> -> memref<512xi32, #tpu.memory_space<hbm>>
    tpu.wait_dma2 semaphore(%arg12 : memref<!tpu.dma_semaphore, #tpu.memory_space<semaphore_mem>>) src(%dma_wait3A_274 : memref<512xi32, #tpu.memory_space<hbm>>) dst(%dma_wait3A_273 : memref<512xi32, #tpu.memory_space<vmem>>)
    %add3A_275 = arith.constant 131072 : i32
    %add3A_276 = arith.addi %add3A_275, %mul3A_2 : i32
    %dma_wait3A_277 = arith.constant 4096 : i32
    %dma_wait3A_278 = tpu.memref_slice %arg6[%dma_wait3A_277] : memref<6656xi32, #tpu.memory_space<vmem>> -> memref<512xi32, #tpu.memory_space<vmem>>
    %dma_wait3A_279 = tpu.memref_slice %arg2[%add3A_276] : memref<524288xi32, #tpu.memory_space<hbm>> -> memref<512xi32, #tpu.memory_space<hbm>>
    %dma_wait3A_280 = arith.constant 4096 : i32
    %dma_wait3A_281 = tpu.memref_slice %arg6[%dma_wait3A_280] : memref<6656xi32, #tpu.memory_space<vmem>> -> memref<512xi32, #tpu.memory_space<vmem>>
    %dma_wait3A_282 = tpu.memref_slice %arg2[%add3A_276] : memref<524288xi32, #tpu.memory_space<hbm>> -> memref<512xi32, #tpu.memory_space<hbm>>
    tpu.wait_dma2 semaphore(%arg12 : memref<!tpu.dma_semaphore, #tpu.memory_space<semaphore_mem>>) src(%dma_wait3A_282 : memref<512xi32, #tpu.memory_space<hbm>>) dst(%dma_wait3A_281 : memref<512xi32, #tpu.memory_space<vmem>>)
    %add3A_283 = arith.constant 147456 : i32
    %add3A_284 = arith.addi %add3A_283, %mul3A_2 : i32
    %dma_wait3A_285 = arith.constant 4608 : i32
    %dma_wait3A_286 = tpu.memref_slice %arg6[%dma_wait3A_285] : memref<6656xi32, #tpu.memory_space<vmem>> -> memref<512xi32, #tpu.memory_space<vmem>>
    %dma_wait3A_287 = tpu.memref_slice %arg2[%add3A_284] : memref<524288xi32, #tpu.memory_space<hbm>> -> memref<512xi32, #tpu.memory_space<hbm>>
    %dma_wait3A_288 = arith.constant 4608 : i32
    %dma_wait3A_289 = tpu.memref_slice %arg6[%dma_wait3A_288] : memref<6656xi32, #tpu.memory_space<vmem>> -> memref<512xi32, #tpu.memory_space<vmem>>
    %dma_wait3A_290 = tpu.memref_slice %arg2[%add3A_284] : memref<524288xi32, #tpu.memory_space<hbm>> -> memref<512xi32, #tpu.memory_space<hbm>>
    tpu.wait_dma2 semaphore(%arg12 : memref<!tpu.dma_semaphore, #tpu.memory_space<semaphore_mem>>) src(%dma_wait3A_290 : memref<512xi32, #tpu.memory_space<hbm>>) dst(%dma_wait3A_289 : memref<512xi32, #tpu.memory_space<vmem>>)
    %add3A_291 = arith.constant 163840 : i32
    %add3A_292 = arith.addi %add3A_291, %mul3A_2 : i32
    %dma_wait3A_293 = arith.constant 5120 : i32
    %dma_wait3A_294 = tpu.memref_slice %arg6[%dma_wait3A_293] : memref<6656xi32, #tpu.memory_space<vmem>> -> memref<512xi32, #tpu.memory_space<vmem>>
    %dma_wait3A_295 = tpu.memref_slice %arg2[%add3A_292] : memref<524288xi32, #tpu.memory_space<hbm>> -> memref<512xi32, #tpu.memory_space<hbm>>
    %dma_wait3A_296 = arith.constant 5120 : i32
    %dma_wait3A_297 = tpu.memref_slice %arg6[%dma_wait3A_296] : memref<6656xi32, #tpu.memory_space<vmem>> -> memref<512xi32, #tpu.memory_space<vmem>>
    %dma_wait3A_298 = tpu.memref_slice %arg2[%add3A_292] : memref<524288xi32, #tpu.memory_space<hbm>> -> memref<512xi32, #tpu.memory_space<hbm>>
    tpu.wait_dma2 semaphore(%arg12 : memref<!tpu.dma_semaphore, #tpu.memory_space<semaphore_mem>>) src(%dma_wait3A_298 : memref<512xi32, #tpu.memory_space<hbm>>) dst(%dma_wait3A_297 : memref<512xi32, #tpu.memory_space<vmem>>)
    %add3A_299 = arith.constant 180224 : i32
    %add3A_300 = arith.addi %add3A_299, %mul3A_2 : i32
    %dma_wait3A_301 = arith.constant 5632 : i32
    %dma_wait3A_302 = tpu.memref_slice %arg6[%dma_wait3A_301] : memref<6656xi32, #tpu.memory_space<vmem>> -> memref<512xi32, #tpu.memory_space<vmem>>
    %dma_wait3A_303 = tpu.memref_slice %arg2[%add3A_300] : memref<524288xi32, #tpu.memory_space<hbm>> -> memref<512xi32, #tpu.memory_space<hbm>>
    %dma_wait3A_304 = arith.constant 5632 : i32
    %dma_wait3A_305 = tpu.memref_slice %arg6[%dma_wait3A_304] : memref<6656xi32, #tpu.memory_space<vmem>> -> memref<512xi32, #tpu.memory_space<vmem>>
    %dma_wait3A_306 = tpu.memref_slice %arg2[%add3A_300] : memref<524288xi32, #tpu.memory_space<hbm>> -> memref<512xi32, #tpu.memory_space<hbm>>
    tpu.wait_dma2 semaphore(%arg12 : memref<!tpu.dma_semaphore, #tpu.memory_space<semaphore_mem>>) src(%dma_wait3A_306 : memref<512xi32, #tpu.memory_space<hbm>>) dst(%dma_wait3A_305 : memref<512xi32, #tpu.memory_space<vmem>>)
    %add3A_307 = arith.constant 196608 : i32
    %add3A_308 = arith.addi %add3A_307, %mul3A_2 : i32
    %dma_wait3A_309 = arith.constant 6144 : i32
    %dma_wait3A_310 = tpu.memref_slice %arg6[%dma_wait3A_309] : memref<6656xi32, #tpu.memory_space<vmem>> -> memref<512xi32, #tpu.memory_space<vmem>>
    %dma_wait3A_311 = tpu.memref_slice %arg2[%add3A_308] : memref<524288xi32, #tpu.memory_space<hbm>> -> memref<512xi32, #tpu.memory_space<hbm>>
    %dma_wait3A_312 = arith.constant 6144 : i32
    %dma_wait3A_313 = tpu.memref_slice %arg6[%dma_wait3A_312] : memref<6656xi32, #tpu.memory_space<vmem>> -> memref<512xi32, #tpu.memory_space<vmem>>
    %dma_wait3A_314 = tpu.memref_slice %arg2[%add3A_308] : memref<524288xi32, #tpu.memory_space<hbm>> -> memref<512xi32, #tpu.memory_space<hbm>>
    tpu.wait_dma2 semaphore(%arg12 : memref<!tpu.dma_semaphore, #tpu.memory_space<semaphore_mem>>) src(%dma_wait3A_314 : memref<512xi32, #tpu.memory_space<hbm>>) dst(%dma_wait3A_313 : memref<512xi32, #tpu.memory_space<vmem>>)
    %dma_start3A_315 = arith.constant 0 : i32
    %dma_start3A_316 = tpu.memref_slice %arg3[%dma_start3A_315] : memref<2600960xf32, #tpu.memory_space<hbm>> -> memref<2600960xf32, #tpu.memory_space<hbm>>
    tpu.enqueue_indirect_dma source(%dma_start3A_316 : memref<2600960xf32, #tpu.memory_space<hbm>>) target(%arg8 : memref<6656xf32, #tpu.memory_space<vmem>>) offsets(%arg6 : memref<6656xi32, #tpu.memory_space<vmem>>) semaphore(%arg14 : memref<!tpu.dma_semaphore, #tpu.memory_space<semaphore_mem>>)
    %add3A_317 = arith.constant 212992 : i32
    %add3A_318 = arith.addi %add3A_317, %mul3A_2 : i32
    %dma_wait3A_319 = arith.constant 0 : i32
    %dma_wait3A_320 = tpu.memref_slice %arg7[%dma_wait3A_319] : memref<6656xi32, #tpu.memory_space<vmem>> -> memref<512xi32, #tpu.memory_space<vmem>>
    %dma_wait3A_321 = tpu.memref_slice %arg2[%add3A_318] : memref<524288xi32, #tpu.memory_space<hbm>> -> memref<512xi32, #tpu.memory_space<hbm>>
    %dma_wait3A_322 = arith.constant 0 : i32
    %dma_wait3A_323 = tpu.memref_slice %arg7[%dma_wait3A_322] : memref<6656xi32, #tpu.memory_space<vmem>> -> memref<512xi32, #tpu.memory_space<vmem>>
    %dma_wait3A_324 = tpu.memref_slice %arg2[%add3A_318] : memref<524288xi32, #tpu.memory_space<hbm>> -> memref<512xi32, #tpu.memory_space<hbm>>
    tpu.wait_dma2 semaphore(%arg13 : memref<!tpu.dma_semaphore, #tpu.memory_space<semaphore_mem>>) src(%dma_wait3A_324 : memref<512xi32, #tpu.memory_space<hbm>>) dst(%dma_wait3A_323 : memref<512xi32, #tpu.memory_space<vmem>>)
    %add3A_325 = arith.constant 229376 : i32
    %add3A_326 = arith.addi %add3A_325, %mul3A_2 : i32
    %dma_wait3A_327 = arith.constant 512 : i32
    %dma_wait3A_328 = tpu.memref_slice %arg7[%dma_wait3A_327] : memref<6656xi32, #tpu.memory_space<vmem>> -> memref<512xi32, #tpu.memory_space<vmem>>
    %dma_wait3A_329 = tpu.memref_slice %arg2[%add3A_326] : memref<524288xi32, #tpu.memory_space<hbm>> -> memref<512xi32, #tpu.memory_space<hbm>>
    %dma_wait3A_330 = arith.constant 512 : i32
    %dma_wait3A_331 = tpu.memref_slice %arg7[%dma_wait3A_330] : memref<6656xi32, #tpu.memory_space<vmem>> -> memref<512xi32, #tpu.memory_space<vmem>>
    %dma_wait3A_332 = tpu.memref_slice %arg2[%add3A_326] : memref<524288xi32, #tpu.memory_space<hbm>> -> memref<512xi32, #tpu.memory_space<hbm>>
    tpu.wait_dma2 semaphore(%arg13 : memref<!tpu.dma_semaphore, #tpu.memory_space<semaphore_mem>>) src(%dma_wait3A_332 : memref<512xi32, #tpu.memory_space<hbm>>) dst(%dma_wait3A_331 : memref<512xi32, #tpu.memory_space<vmem>>)
    %add3A_333 = arith.constant 245760 : i32
    %add3A_334 = arith.addi %add3A_333, %mul3A_2 : i32
    %dma_wait3A_335 = arith.constant 1024 : i32
    %dma_wait3A_336 = tpu.memref_slice %arg7[%dma_wait3A_335] : memref<6656xi32, #tpu.memory_space<vmem>> -> memref<512xi32, #tpu.memory_space<vmem>>
    %dma_wait3A_337 = tpu.memref_slice %arg2[%add3A_334] : memref<524288xi32, #tpu.memory_space<hbm>> -> memref<512xi32, #tpu.memory_space<hbm>>
    %dma_wait3A_338 = arith.constant 1024 : i32
    %dma_wait3A_339 = tpu.memref_slice %arg7[%dma_wait3A_338] : memref<6656xi32, #tpu.memory_space<vmem>> -> memref<512xi32, #tpu.memory_space<vmem>>
    %dma_wait3A_340 = tpu.memref_slice %arg2[%add3A_334] : memref<524288xi32, #tpu.memory_space<hbm>> -> memref<512xi32, #tpu.memory_space<hbm>>
    tpu.wait_dma2 semaphore(%arg13 : memref<!tpu.dma_semaphore, #tpu.memory_space<semaphore_mem>>) src(%dma_wait3A_340 : memref<512xi32, #tpu.memory_space<hbm>>) dst(%dma_wait3A_339 : memref<512xi32, #tpu.memory_space<vmem>>)
    %add3A_341 = arith.constant 262144 : i32
    %add3A_342 = arith.addi %add3A_341, %mul3A_2 : i32
    %dma_wait3A_343 = arith.constant 1536 : i32
    %dma_wait3A_344 = tpu.memref_slice %arg7[%dma_wait3A_343] : memref<6656xi32, #tpu.memory_space<vmem>> -> memref<512xi32, #tpu.memory_space<vmem>>
    %dma_wait3A_345 = tpu.memref_slice %arg2[%add3A_342] : memref<524288xi32, #tpu.memory_space<hbm>> -> memref<512xi32, #tpu.memory_space<hbm>>
    %dma_wait3A_346 = arith.constant 1536 : i32
    %dma_wait3A_347 = tpu.memref_slice %arg7[%dma_wait3A_346] : memref<6656xi32, #tpu.memory_space<vmem>> -> memref<512xi32, #tpu.memory_space<vmem>>
    %dma_wait3A_348 = tpu.memref_slice %arg2[%add3A_342] : memref<524288xi32, #tpu.memory_space<hbm>> -> memref<512xi32, #tpu.memory_space<hbm>>
    tpu.wait_dma2 semaphore(%arg13 : memref<!tpu.dma_semaphore, #tpu.memory_space<semaphore_mem>>) src(%dma_wait3A_348 : memref<512xi32, #tpu.memory_space<hbm>>) dst(%dma_wait3A_347 : memref<512xi32, #tpu.memory_space<vmem>>)
    %add3A_349 = arith.constant 278528 : i32
    %add3A_350 = arith.addi %add3A_349, %mul3A_2 : i32
    %dma_wait3A_351 = arith.constant 2048 : i32
    %dma_wait3A_352 = tpu.memref_slice %arg7[%dma_wait3A_351] : memref<6656xi32, #tpu.memory_space<vmem>> -> memref<512xi32, #tpu.memory_space<vmem>>
    %dma_wait3A_353 = tpu.memref_slice %arg2[%add3A_350] : memref<524288xi32, #tpu.memory_space<hbm>> -> memref<512xi32, #tpu.memory_space<hbm>>
    %dma_wait3A_354 = arith.constant 2048 : i32
    %dma_wait3A_355 = tpu.memref_slice %arg7[%dma_wait3A_354] : memref<6656xi32, #tpu.memory_space<vmem>> -> memref<512xi32, #tpu.memory_space<vmem>>
    %dma_wait3A_356 = tpu.memref_slice %arg2[%add3A_350] : memref<524288xi32, #tpu.memory_space<hbm>> -> memref<512xi32, #tpu.memory_space<hbm>>
    tpu.wait_dma2 semaphore(%arg13 : memref<!tpu.dma_semaphore, #tpu.memory_space<semaphore_mem>>) src(%dma_wait3A_356 : memref<512xi32, #tpu.memory_space<hbm>>) dst(%dma_wait3A_355 : memref<512xi32, #tpu.memory_space<vmem>>)
    %add3A_357 = arith.constant 294912 : i32
    %add3A_358 = arith.addi %add3A_357, %mul3A_2 : i32
    %dma_wait3A_359 = arith.constant 2560 : i32
    %dma_wait3A_360 = tpu.memref_slice %arg7[%dma_wait3A_359] : memref<6656xi32, #tpu.memory_space<vmem>> -> memref<512xi32, #tpu.memory_space<vmem>>
    %dma_wait3A_361 = tpu.memref_slice %arg2[%add3A_358] : memref<524288xi32, #tpu.memory_space<hbm>> -> memref<512xi32, #tpu.memory_space<hbm>>
    %dma_wait3A_362 = arith.constant 2560 : i32
    %dma_wait3A_363 = tpu.memref_slice %arg7[%dma_wait3A_362] : memref<6656xi32, #tpu.memory_space<vmem>> -> memref<512xi32, #tpu.memory_space<vmem>>
    %dma_wait3A_364 = tpu.memref_slice %arg2[%add3A_358] : memref<524288xi32, #tpu.memory_space<hbm>> -> memref<512xi32, #tpu.memory_space<hbm>>
    tpu.wait_dma2 semaphore(%arg13 : memref<!tpu.dma_semaphore, #tpu.memory_space<semaphore_mem>>) src(%dma_wait3A_364 : memref<512xi32, #tpu.memory_space<hbm>>) dst(%dma_wait3A_363 : memref<512xi32, #tpu.memory_space<vmem>>)
    %add3A_365 = arith.constant 311296 : i32
    %add3A_366 = arith.addi %add3A_365, %mul3A_2 : i32
    %dma_wait3A_367 = arith.constant 3072 : i32
    %dma_wait3A_368 = tpu.memref_slice %arg7[%dma_wait3A_367] : memref<6656xi32, #tpu.memory_space<vmem>> -> memref<512xi32, #tpu.memory_space<vmem>>
    %dma_wait3A_369 = tpu.memref_slice %arg2[%add3A_366] : memref<524288xi32, #tpu.memory_space<hbm>> -> memref<512xi32, #tpu.memory_space<hbm>>
    %dma_wait3A_370 = arith.constant 3072 : i32
    %dma_wait3A_371 = tpu.memref_slice %arg7[%dma_wait3A_370] : memref<6656xi32, #tpu.memory_space<vmem>> -> memref<512xi32, #tpu.memory_space<vmem>>
    %dma_wait3A_372 = tpu.memref_slice %arg2[%add3A_366] : memref<524288xi32, #tpu.memory_space<hbm>> -> memref<512xi32, #tpu.memory_space<hbm>>
    tpu.wait_dma2 semaphore(%arg13 : memref<!tpu.dma_semaphore, #tpu.memory_space<semaphore_mem>>) src(%dma_wait3A_372 : memref<512xi32, #tpu.memory_space<hbm>>) dst(%dma_wait3A_371 : memref<512xi32, #tpu.memory_space<vmem>>)
    %add3A_373 = arith.constant 327680 : i32
    %add3A_374 = arith.addi %add3A_373, %mul3A_2 : i32
    %dma_wait3A_375 = arith.constant 3584 : i32
    %dma_wait3A_376 = tpu.memref_slice %arg7[%dma_wait3A_375] : memref<6656xi32, #tpu.memory_space<vmem>> -> memref<512xi32, #tpu.memory_space<vmem>>
    %dma_wait3A_377 = tpu.memref_slice %arg2[%add3A_374] : memref<524288xi32, #tpu.memory_space<hbm>> -> memref<512xi32, #tpu.memory_space<hbm>>
    %dma_wait3A_378 = arith.constant 3584 : i32
    %dma_wait3A_379 = tpu.memref_slice %arg7[%dma_wait3A_378] : memref<6656xi32, #tpu.memory_space<vmem>> -> memref<512xi32, #tpu.memory_space<vmem>>
    %dma_wait3A_380 = tpu.memref_slice %arg2[%add3A_374] : memref<524288xi32, #tpu.memory_space<hbm>> -> memref<512xi32, #tpu.memory_space<hbm>>
    tpu.wait_dma2 semaphore(%arg13 : memref<!tpu.dma_semaphore, #tpu.memory_space<semaphore_mem>>) src(%dma_wait3A_380 : memref<512xi32, #tpu.memory_space<hbm>>) dst(%dma_wait3A_379 : memref<512xi32, #tpu.memory_space<vmem>>)
    %add3A_381 = arith.constant 344064 : i32
    %add3A_382 = arith.addi %add3A_381, %mul3A_2 : i32
    %dma_wait3A_383 = arith.constant 4096 : i32
    %dma_wait3A_384 = tpu.memref_slice %arg7[%dma_wait3A_383] : memref<6656xi32, #tpu.memory_space<vmem>> -> memref<512xi32, #tpu.memory_space<vmem>>
    %dma_wait3A_385 = tpu.memref_slice %arg2[%add3A_382] : memref<524288xi32, #tpu.memory_space<hbm>> -> memref<512xi32, #tpu.memory_space<hbm>>
    %dma_wait3A_386 = arith.constant 4096 : i32
    %dma_wait3A_387 = tpu.memref_slice %arg7[%dma_wait3A_386] : memref<6656xi32, #tpu.memory_space<vmem>> -> memref<512xi32, #tpu.memory_space<vmem>>
    %dma_wait3A_388 = tpu.memref_slice %arg2[%add3A_382] : memref<524288xi32, #tpu.memory_space<hbm>> -> memref<512xi32, #tpu.memory_space<hbm>>
    tpu.wait_dma2 semaphore(%arg13 : memref<!tpu.dma_semaphore, #tpu.memory_space<semaphore_mem>>) src(%dma_wait3A_388 : memref<512xi32, #tpu.memory_space<hbm>>) dst(%dma_wait3A_387 : memref<512xi32, #tpu.memory_space<vmem>>)
    %add3A_389 = arith.constant 360448 : i32
    %add3A_390 = arith.addi %add3A_389, %mul3A_2 : i32
    %dma_wait3A_391 = arith.constant 4608 : i32
    %dma_wait3A_392 = tpu.memref_slice %arg7[%dma_wait3A_391] : memref<6656xi32, #tpu.memory_space<vmem>> -> memref<512xi32, #tpu.memory_space<vmem>>
    %dma_wait3A_393 = tpu.memref_slice %arg2[%add3A_390] : memref<524288xi32, #tpu.memory_space<hbm>> -> memref<512xi32, #tpu.memory_space<hbm>>
    %dma_wait3A_394 = arith.constant 4608 : i32
    %dma_wait3A_395 = tpu.memref_slice %arg7[%dma_wait3A_394] : memref<6656xi32, #tpu.memory_space<vmem>> -> memref<512xi32, #tpu.memory_space<vmem>>
    %dma_wait3A_396 = tpu.memref_slice %arg2[%add3A_390] : memref<524288xi32, #tpu.memory_space<hbm>> -> memref<512xi32, #tpu.memory_space<hbm>>
    tpu.wait_dma2 semaphore(%arg13 : memref<!tpu.dma_semaphore, #tpu.memory_space<semaphore_mem>>) src(%dma_wait3A_396 : memref<512xi32, #tpu.memory_space<hbm>>) dst(%dma_wait3A_395 : memref<512xi32, #tpu.memory_space<vmem>>)
    %add3A_397 = arith.constant 376832 : i32
    %add3A_398 = arith.addi %add3A_397, %mul3A_2 : i32
    %dma_wait3A_399 = arith.constant 5120 : i32
    %dma_wait3A_400 = tpu.memref_slice %arg7[%dma_wait3A_399] : memref<6656xi32, #tpu.memory_space<vmem>> -> memref<512xi32, #tpu.memory_space<vmem>>
    %dma_wait3A_401 = tpu.memref_slice %arg2[%add3A_398] : memref<524288xi32, #tpu.memory_space<hbm>> -> memref<512xi32, #tpu.memory_space<hbm>>
    %dma_wait3A_402 = arith.constant 5120 : i32
    %dma_wait3A_403 = tpu.memref_slice %arg7[%dma_wait3A_402] : memref<6656xi32, #tpu.memory_space<vmem>> -> memref<512xi32, #tpu.memory_space<vmem>>
    %dma_wait3A_404 = tpu.memref_slice %arg2[%add3A_398] : memref<524288xi32, #tpu.memory_space<hbm>> -> memref<512xi32, #tpu.memory_space<hbm>>
    tpu.wait_dma2 semaphore(%arg13 : memref<!tpu.dma_semaphore, #tpu.memory_space<semaphore_mem>>) src(%dma_wait3A_404 : memref<512xi32, #tpu.memory_space<hbm>>) dst(%dma_wait3A_403 : memref<512xi32, #tpu.memory_space<vmem>>)
    %add3A_405 = arith.constant 393216 : i32
    %add3A_406 = arith.addi %add3A_405, %mul3A_2 : i32
    %dma_wait3A_407 = arith.constant 5632 : i32
    %dma_wait3A_408 = tpu.memref_slice %arg7[%dma_wait3A_407] : memref<6656xi32, #tpu.memory_space<vmem>> -> memref<512xi32, #tpu.memory_space<vmem>>
    %dma_wait3A_409 = tpu.memref_slice %arg2[%add3A_406] : memref<524288xi32, #tpu.memory_space<hbm>> -> memref<512xi32, #tpu.memory_space<hbm>>
    %dma_wait3A_410 = arith.constant 5632 : i32
    %dma_wait3A_411 = tpu.memref_slice %arg7[%dma_wait3A_410] : memref<6656xi32, #tpu.memory_space<vmem>> -> memref<512xi32, #tpu.memory_space<vmem>>
    %dma_wait3A_412 = tpu.memref_slice %arg2[%add3A_406] : memref<524288xi32, #tpu.memory_space<hbm>> -> memref<512xi32, #tpu.memory_space<hbm>>
    tpu.wait_dma2 semaphore(%arg13 : memref<!tpu.dma_semaphore, #tpu.memory_space<semaphore_mem>>) src(%dma_wait3A_412 : memref<512xi32, #tpu.memory_space<hbm>>) dst(%dma_wait3A_411 : memref<512xi32, #tpu.memory_space<vmem>>)
    %add3A_413 = arith.constant 409600 : i32
    %add3A_414 = arith.addi %add3A_413, %mul3A_2 : i32
    %dma_wait3A_415 = arith.constant 6144 : i32
    %dma_wait3A_416 = tpu.memref_slice %arg7[%dma_wait3A_415] : memref<6656xi32, #tpu.memory_space<vmem>> -> memref<512xi32, #tpu.memory_space<vmem>>
    %dma_wait3A_417 = tpu.memref_slice %arg2[%add3A_414] : memref<524288xi32, #tpu.memory_space<hbm>> -> memref<512xi32, #tpu.memory_space<hbm>>
    %dma_wait3A_418 = arith.constant 6144 : i32
    %dma_wait3A_419 = tpu.memref_slice %arg7[%dma_wait3A_418] : memref<6656xi32, #tpu.memory_space<vmem>> -> memref<512xi32, #tpu.memory_space<vmem>>
    %dma_wait3A_420 = tpu.memref_slice %arg2[%add3A_414] : memref<524288xi32, #tpu.memory_space<hbm>> -> memref<512xi32, #tpu.memory_space<hbm>>
    tpu.wait_dma2 semaphore(%arg13 : memref<!tpu.dma_semaphore, #tpu.memory_space<semaphore_mem>>) src(%dma_wait3A_420 : memref<512xi32, #tpu.memory_space<hbm>>) dst(%dma_wait3A_419 : memref<512xi32, #tpu.memory_space<vmem>>)
    %dma_start3A_421 = arith.constant 0 : i32
    %dma_start3A_422 = tpu.memref_slice %arg3[%dma_start3A_421] : memref<2600960xf32, #tpu.memory_space<hbm>> -> memref<2600960xf32, #tpu.memory_space<hbm>>
    tpu.enqueue_indirect_dma source(%dma_start3A_422 : memref<2600960xf32, #tpu.memory_space<hbm>>) target(%arg9 : memref<6656xf32, #tpu.memory_space<vmem>>) offsets(%arg7 : memref<6656xi32, #tpu.memory_space<vmem>>) semaphore(%arg15 : memref<!tpu.dma_semaphore, #tpu.memory_space<semaphore_mem>>)
    %get3A = arith.constant 0 : index
    %get3A_423 = tpu.vector_load %arg11[%get3A] {strides = array<i32>} : memref<16xf32, #tpu.memory_space<vmem>>, vector<16xf32>,
    %reduce_sum3A = arith.constant true
    %reduce_sum3A_424 = vector.broadcast %reduce_sum3A : i1 to vector<16xi1>
    %reduce_sum3A_425 = tpu.scan <sum>, %get3A_423 masked %reduce_sum3A_424 : vector<16xf32>, vector<16xi1> -> vector<16xf32>
    %reduce_sum3A_426 = vector.extract %reduce_sum3A_425[15] : f32 from vector<16xf32>
    %dma_wait3A_427 = arith.constant 0 : i32
    %dma_wait3A_428 = tpu.memref_slice %arg3[%dma_wait3A_427] : memref<2600960xf32, #tpu.memory_space<hbm>> -> memref<2600960xf32, #tpu.memory_space<hbm>>
    tpu.wait_indirect_dma semaphore(%arg14 : memref<!tpu.dma_semaphore, #tpu.memory_space<semaphore_mem>>) src(%dma_wait3A_428 : memref<2600960xf32, #tpu.memory_space<hbm>>) dst(%arg8 : memref<6656xf32, #tpu.memory_space<vmem>>)
    %scan3A = arith.constant 0 : i32
    %scan3A_429 = arith.constant 0 : i32
    %scan3A_430 = arith.constant 32 : i32
    %scan3A_431 = arith.addi %scan3A_429, %scan3A_430 : i32
    %scan3A_432 = arith.constant 1 : i32
    scf.for %scan3A_442 = %scan3A_429 to %scan3A_431 step %scan3A_432  : i32 {
      %mul3A_443 = arith.constant 16 : i32
      %mul3A_444 = arith.muli %scan3A_442, %mul3A_443 : i32
      %get3A_445 = arith.index_cast %mul3A_444 : i32 to index
      %get3A_446 = tpu.vector_load %arg8[%get3A_445] {strides = array<i32>} : memref<6656xf32, #tpu.memory_space<vmem>>, vector<16xf32>,
      %add3A_447 = arith.constant 512 : i32
      %add3A_448 = arith.addi %add3A_447, %mul3A_444 : i32
      %get3A_449 = arith.index_cast %add3A_448 : i32 to index
      %get3A_450 = tpu.vector_load %arg8[%get3A_449] {strides = array<i32>} : memref<6656xf32, #tpu.memory_space<vmem>>, vector<16xf32>,
      %add3A_451 = arith.addf %get3A_446, %get3A_450 : vector<16xf32>
      %add3A_452 = arith.constant 1024 : i32
      %add3A_453 = arith.addi %add3A_452, %mul3A_444 : i32
      %get3A_454 = arith.index_cast %add3A_453 : i32 to index
      %get3A_455 = tpu.vector_load %arg8[%get3A_454] {strides = array<i32>} : memref<6656xf32, #tpu.memory_space<vmem>>, vector<16xf32>,
      %add3A_456 = arith.addf %add3A_451, %get3A_455 : vector<16xf32>
      %add3A_457 = arith.constant 1536 : i32
      %add3A_458 = arith.addi %add3A_457, %mul3A_444 : i32
      %get3A_459 = arith.index_cast %add3A_458 : i32 to index
      %get3A_460 = tpu.vector_load %arg8[%get3A_459] {strides = array<i32>} : memref<6656xf32, #tpu.memory_space<vmem>>, vector<16xf32>,
      %add3A_461 = arith.addf %add3A_456, %get3A_460 : vector<16xf32>
      %add3A_462 = arith.constant 2048 : i32
      %add3A_463 = arith.addi %add3A_462, %mul3A_444 : i32
      %get3A_464 = arith.index_cast %add3A_463 : i32 to index
      %get3A_465 = tpu.vector_load %arg8[%get3A_464] {strides = array<i32>} : memref<6656xf32, #tpu.memory_space<vmem>>, vector<16xf32>,
      %add3A_466 = arith.addf %add3A_461, %get3A_465 : vector<16xf32>
      %add3A_467 = arith.constant 2560 : i32
      %add3A_468 = arith.addi %add3A_467, %mul3A_444 : i32
      %get3A_469 = arith.index_cast %add3A_468 : i32 to index
      %get3A_470 = tpu.vector_load %arg8[%get3A_469] {strides = array<i32>} : memref<6656xf32, #tpu.memory_space<vmem>>, vector<16xf32>,
      %add3A_471 = arith.addf %add3A_466, %get3A_470 : vector<16xf32>
      %add3A_472 = arith.constant 3072 : i32
      %add3A_473 = arith.addi %add3A_472, %mul3A_444 : i32
      %get3A_474 = arith.index_cast %add3A_473 : i32 to index
      %get3A_475 = tpu.vector_load %arg8[%get3A_474] {strides = array<i32>} : memref<6656xf32, #tpu.memory_space<vmem>>, vector<16xf32>,
      %add3A_476 = arith.addf %add3A_471, %get3A_475 : vector<16xf32>
      %add3A_477 = arith.constant 3584 : i32
      %add3A_478 = arith.addi %add3A_477, %mul3A_444 : i32
      %get3A_479 = arith.index_cast %add3A_478 : i32 to index
      %get3A_480 = tpu.vector_load %arg8[%get3A_479] {strides = array<i32>} : memref<6656xf32, #tpu.memory_space<vmem>>, vector<16xf32>,
      %add3A_481 = arith.addf %add3A_476, %get3A_480 : vector<16xf32>
      %add3A_482 = arith.constant 4096 : i32
      %add3A_483 = arith.addi %add3A_482, %mul3A_444 : i32
      %get3A_484 = arith.index_cast %add3A_483 : i32 to index
      %get3A_485 = tpu.vector_load %arg8[%get3A_484] {strides = array<i32>} : memref<6656xf32, #tpu.memory_space<vmem>>, vector<16xf32>,
      %add3A_486 = arith.addf %add3A_481, %get3A_485 : vector<16xf32>
      %add3A_487 = arith.constant 4608 : i32
      %add3A_488 = arith.addi %add3A_487, %mul3A_444 : i32
      %get3A_489 = arith.index_cast %add3A_488 : i32 to index
      %get3A_490 = tpu.vector_load %arg8[%get3A_489] {strides = array<i32>} : memref<6656xf32, #tpu.memory_space<vmem>>, vector<16xf32>,
      %add3A_491 = arith.addf %add3A_486, %get3A_490 : vector<16xf32>
      %add3A_492 = arith.constant 5120 : i32
      %add3A_493 = arith.addi %add3A_492, %mul3A_444 : i32
      %get3A_494 = arith.index_cast %add3A_493 : i32 to index
      %get3A_495 = tpu.vector_load %arg8[%get3A_494] {strides = array<i32>} : memref<6656xf32, #tpu.memory_space<vmem>>, vector<16xf32>,
      %add3A_496 = arith.addf %add3A_491, %get3A_495 : vector<16xf32>
      %add3A_497 = arith.constant 5632 : i32
      %add3A_498 = arith.addi %add3A_497, %mul3A_444 : i32
      %get3A_499 = arith.index_cast %add3A_498 : i32 to index
      %get3A_500 = tpu.vector_load %arg8[%get3A_499] {strides = array<i32>} : memref<6656xf32, #tpu.memory_space<vmem>>, vector<16xf32>,
      %add3A_501 = arith.addf %add3A_496, %get3A_500 : vector<16xf32>
      %add3A_502 = arith.constant 6144 : i32
      %add3A_503 = arith.addi %add3A_502, %mul3A_444 : i32
      %get3A_504 = arith.index_cast %add3A_503 : i32 to index
      %get3A_505 = tpu.vector_load %arg8[%get3A_504] {strides = array<i32>} : memref<6656xf32, #tpu.memory_space<vmem>>, vector<16xf32>,
      %add3A_506 = arith.addf %add3A_501, %get3A_505 : vector<16xf32>
      %add3A_507 = vector.broadcast %reduce_sum3A_426 : f32 to vector<16xf32>
      %add3A_508 = arith.addf %add3A_506, %add3A_507 : vector<16xf32>
      %swap3A_509 = arith.index_cast %mul3A_444 : i32 to index
      %swap3A_510 = tpu.vector_load %arg10[%swap3A_509] {strides = array<i32>} : memref<512xf32, #tpu.memory_space<vmem>>, vector<16xf32>,
      tpu.vector_store %arg10[%swap3A_509], %add3A_508 {strides = array<i32>} : memref<512xf32, #tpu.memory_space<vmem>>, vector<16xf32>,
    }
    %scan3A_433 = arith.constant 32 : i32
    %dma_wait3A_434 = arith.constant 0 : i32
    %dma_wait3A_435 = tpu.memref_slice %arg3[%dma_wait3A_434] : memref<2600960xf32, #tpu.memory_space<hbm>> -> memref<2600960xf32, #tpu.memory_space<hbm>>
    tpu.wait_indirect_dma semaphore(%arg15 : memref<!tpu.dma_semaphore, #tpu.memory_space<semaphore_mem>>) src(%dma_wait3A_435 : memref<2600960xf32, #tpu.memory_space<hbm>>) dst(%arg9 : memref<6656xf32, #tpu.memory_space<vmem>>)
    %scan3A_436 = arith.constant 0 : i32
    %scan3A_437 = arith.constant 0 : i32
    %scan3A_438 = arith.constant 32 : i32
    %scan3A_439 = arith.addi %scan3A_437, %scan3A_438 : i32
    %scan3A_440 = arith.constant 1 : i32
    scf.for %scan3A_442 = %scan3A_437 to %scan3A_439 step %scan3A_440  : i32 {
      %mul3A_443 = arith.constant 16 : i32
      %mul3A_444 = arith.muli %scan3A_442, %mul3A_443 : i32
      %get3A_445 = arith.index_cast %mul3A_444 : i32 to index
      %get3A_446 = tpu.vector_load %arg9[%get3A_445] {strides = array<i32>} : memref<6656xf32, #tpu.memory_space<vmem>>, vector<16xf32>,
      %add3A_447 = arith.constant 512 : i32
      %add3A_448 = arith.addi %add3A_447, %mul3A_444 : i32
      %get3A_449 = arith.index_cast %add3A_448 : i32 to index
      %get3A_450 = tpu.vector_load %arg9[%get3A_449] {strides = array<i32>} : memref<6656xf32, #tpu.memory_space<vmem>>, vector<16xf32>,
      %add3A_451 = arith.addf %get3A_446, %get3A_450 : vector<16xf32>
      %add3A_452 = arith.constant 1024 : i32
      %add3A_453 = arith.addi %add3A_452, %mul3A_444 : i32
      %get3A_454 = arith.index_cast %add3A_453 : i32 to index
      %get3A_455 = tpu.vector_load %arg9[%get3A_454] {strides = array<i32>} : memref<6656xf32, #tpu.memory_space<vmem>>, vector<16xf32>,
      %add3A_456 = arith.addf %add3A_451, %get3A_455 : vector<16xf32>
      %add3A_457 = arith.constant 1536 : i32
      %add3A_458 = arith.addi %add3A_457, %mul3A_444 : i32
      %get3A_459 = arith.index_cast %add3A_458 : i32 to index
      %get3A_460 = tpu.vector_load %arg9[%get3A_459] {strides = array<i32>} : memref<6656xf32, #tpu.memory_space<vmem>>, vector<16xf32>,
      %add3A_461 = arith.addf %add3A_456, %get3A_460 : vector<16xf32>
      %add3A_462 = arith.constant 2048 : i32
      %add3A_463 = arith.addi %add3A_462, %mul3A_444 : i32
      %get3A_464 = arith.index_cast %add3A_463 : i32 to index
      %get3A_465 = tpu.vector_load %arg9[%get3A_464] {strides = array<i32>} : memref<6656xf32, #tpu.memory_space<vmem>>, vector<16xf32>,
      %add3A_466 = arith.addf %add3A_461, %get3A_465 : vector<16xf32>
      %add3A_467 = arith.constant 2560 : i32
      %add3A_468 = arith.addi %add3A_467, %mul3A_444 : i32
      %get3A_469 = arith.index_cast %add3A_468 : i32 to index
      %get3A_470 = tpu.vector_load %arg9[%get3A_469] {strides = array<i32>} : memref<6656xf32, #tpu.memory_space<vmem>>, vector<16xf32>,
      %add3A_471 = arith.addf %add3A_466, %get3A_470 : vector<16xf32>
      %add3A_472 = arith.constant 3072 : i32
      %add3A_473 = arith.addi %add3A_472, %mul3A_444 : i32
      %get3A_474 = arith.index_cast %add3A_473 : i32 to index
      %get3A_475 = tpu.vector_load %arg9[%get3A_474] {strides = array<i32>} : memref<6656xf32, #tpu.memory_space<vmem>>, vector<16xf32>,
      %add3A_476 = arith.addf %add3A_471, %get3A_475 : vector<16xf32>
      %add3A_477 = arith.constant 3584 : i32
      %add3A_478 = arith.addi %add3A_477, %mul3A_444 : i32
      %get3A_479 = arith.index_cast %add3A_478 : i32 to index
      %get3A_480 = tpu.vector_load %arg9[%get3A_479] {strides = array<i32>} : memref<6656xf32, #tpu.memory_space<vmem>>, vector<16xf32>,
      %add3A_481 = arith.addf %add3A_476, %get3A_480 : vector<16xf32>
      %add3A_482 = arith.constant 4096 : i32
      %add3A_483 = arith.addi %add3A_482, %mul3A_444 : i32
      %get3A_484 = arith.index_cast %add3A_483 : i32 to index
      %get3A_485 = tpu.vector_load %arg9[%get3A_484] {strides = array<i32>} : memref<6656xf32, #tpu.memory_space<vmem>>, vector<16xf32>,
      %add3A_486 = arith.addf %add3A_481, %get3A_485 : vector<16xf32>
      %add3A_487 = arith.constant 4608 : i32
      %add3A_488 = arith.addi %add3A_487, %mul3A_444 : i32
      %get3A_489 = arith.index_cast %add3A_488 : i32 to index
      %get3A_490 = tpu.vector_load %arg9[%get3A_489] {strides = array<i32>} : memref<6656xf32, #tpu.memory_space<vmem>>, vector<16xf32>,
      %add3A_491 = arith.addf %add3A_486, %get3A_490 : vector<16xf32>
      %add3A_492 = arith.constant 5120 : i32
      %add3A_493 = arith.addi %add3A_492, %mul3A_444 : i32
      %get3A_494 = arith.index_cast %add3A_493 : i32 to index
      %get3A_495 = tpu.vector_load %arg9[%get3A_494] {strides = array<i32>} : memref<6656xf32, #tpu.memory_space<vmem>>, vector<16xf32>,
      %add3A_496 = arith.addf %add3A_491, %get3A_495 : vector<16xf32>
      %add3A_497 = arith.constant 5632 : i32
      %add3A_498 = arith.addi %add3A_497, %mul3A_444 : i32
      %get3A_499 = arith.index_cast %add3A_498 : i32 to index
      %get3A_500 = tpu.vector_load %arg9[%get3A_499] {strides = array<i32>} : memref<6656xf32, #tpu.memory_space<vmem>>, vector<16xf32>,
      %add3A_501 = arith.addf %add3A_496, %get3A_500 : vector<16xf32>
      %add3A_502 = arith.constant 6144 : i32
      %add3A_503 = arith.addi %add3A_502, %mul3A_444 : i32
      %get3A_504 = arith.index_cast %add3A_503 : i32 to index
      %get3A_505 = tpu.vector_load %arg9[%get3A_504] {strides = array<i32>} : memref<6656xf32, #tpu.memory_space<vmem>>, vector<16xf32>,
      %add3A_506 = arith.addf %add3A_501, %get3A_505 : vector<16xf32>
      %get3A_507 = arith.index_cast %mul3A_444 : i32 to index
      %get3A_508 = tpu.vector_load %arg10[%get3A_507] {strides = array<i32>} : memref<512xf32, #tpu.memory_space<vmem>>, vector<16xf32>,
      %add3A_509 = arith.addf %get3A_508, %add3A_506 : vector<16xf32>
      %swap3A_510 = arith.index_cast %mul3A_444 : i32 to index
      %swap3A_511 = tpu.vector_load %arg10[%swap3A_510] {strides = array<i32>} : memref<512xf32, #tpu.memory_space<vmem>>, vector<16xf32>,
      tpu.vector_store %arg10[%swap3A_510], %add3A_509 {strides = array<i32>} : memref<512xf32, #tpu.memory_space<vmem>>, vector<16xf32>,
    }
    %scan3A_441 = arith.constant 32 : i32
    "tpu.region"() ({
      %run_scoped3A = tpu.sem_alloc : memref<!tpu.dma_semaphore, #tpu.memory_space<semaphore_mem>>
      %dma_start3A_442 = tpu.memref_slice %arg5[%mul3A_2] : memref<16384xf32, #tpu.memory_space<hbm>> -> memref<512xf32, #tpu.memory_space<hbm>>
      %dma_start3A_443 = tpu.memref_slice %arg5[%mul3A_2] : memref<16384xf32, #tpu.memory_space<hbm>> -> memref<512xf32, #tpu.memory_space<hbm>>
      tpu.enqueue_dma source(%arg10 : memref<512xf32, #tpu.memory_space<vmem>>) target(%dma_start3A_443 : memref<512xf32, #tpu.memory_space<hbm>>) target_semaphore(%run_scoped3A : memref<!tpu.dma_semaphore, #tpu.memory_space<semaphore_mem>>)
      %dma_wait3A_444 = tpu.memref_slice %arg5[%mul3A_2] : memref<16384xf32, #tpu.memory_space<hbm>> -> memref<512xf32, #tpu.memory_space<hbm>>
      %dma_wait3A_445 = tpu.memref_slice %arg5[%mul3A_2] : memref<16384xf32, #tpu.memory_space<hbm>> -> memref<512xf32, #tpu.memory_space<hbm>>
      tpu.wait_dma2 semaphore(%run_scoped3A : memref<!tpu.dma_semaphore, #tpu.memory_space<semaphore_mem>>) src(%arg10 : memref<512xf32, #tpu.memory_space<vmem>>) dst(%dma_wait3A_445 : memref<512xf32, #tpu.memory_space<hbm>>)
      tpu.yield
    }) : () -> ()
    return
  }
}

</mosaic_0001>

<sc_bundles>
// kernel: kernel.3.cloned.1.call-start
scs
__scs_entry_jumppad:
0x0: {  	(pc) =	sbr.rel $0x88, $3  }
0x1: {  	(tag) =	ssettag $0x0;
	lr =	simm.s32 $0x1  }
0x2: {  	[smem:$0x3F9E] =	sst lr;
	_ =	strace $0xD0000000  }
0x3: {  	_ = 	snop  }
0x4: {  	_ = 	snop  }
0x5: {  	_ = 	snop  }
0x6: {  	_ = 	snop  }
0x7: {  	_ = 	snop  }
__scs_overlays_trampoline_lowered:
0x8: {  	[smem:$0x3FAD] =	sst s0  }
0x9: {  	[smem:$0x3FAE] =	sst s1  }
0xa: {  	[smem:$0x3FAF] =	sst s2  }
0xb: {  	[smem:$0x3FB0] =	sst s3  }
0xc: {  	[smem:$0x3FB1] =	sst s4  }
0xd: {  	[smem:$0x3FB2] =	sst s5  }
0xe: {  	[smem:$0x3FB3] =	sst s6  }
0xf: {  	[smem:$0x3FB4] =	sst s7  }
0x10: {  	[smem:$0x3FB5] =	sst s8  }
0x11: {  	[smem:$0x3FB6] =	sst s9;
	s0 =	simm.s32 @!p0 $0x0  }
0x12: {  	s1 =	sld [smem:$0x3F9C];
	s0 =	simm.s32 @p0 $0x1  }
0x13: {  	[smem:$0x3FB7] =	sst s0;
	s0 =	simm.s32 @!p1 $0x0  }
0x14: {  	s2 =	sld [smem:$0x3F9B];
	s0 =	simm.s32 @p1 $0x1  }
0x15: {  	[smem:$0x3FB8] =	sst s0;
	s0 =	simm.s32 @!p2 $0x0  }
0x16: {  	s3 =	sld [smem:$0x3FDB];
	s0 =	simm.s32 @p2 $0x1  }
0x17: {  	s4 =	simm.s32 $0x1BF5;
	[smem:$0x3FBA] =	sst s0  }
0x18: {  	s0 =	sld [smem:$0x3F9D];
	_ =	swait.ge [sflag:s4], $0x0  }
0x19: {  	s7 =	sld [smem:$0x3F9E]  }
0x1a: {  	s8 =	sadd.s32 $0xFFFFE003, lr  }
0x1b: {  	s9 =	sadd.s32 $0xFFFFFEF7, lr;
	s5 =	simm.s32 $0xFFFFFFFF;
	p2 =	slt.u32 s8, $0xFFFFF086  }
0x1c: {  	p1 =	slt.u32 s9, $0xF7A;
	s5 =	simm.s32 @!p2 $0x0  }
0x1d: {  	s5 =	simm.s32 @p1 $0x1;
	p0 =	seq.s32 s7, s2  }
0x1e: {  	s7 =	smul.u32 @!p0 $0xF7A, s2;
	p2 =	seq.s32 @!p0 s5, $0x0  }
0x1f: {  	s9 =	smul.u32 $0xF7A, s1;
	s8 =	simm.s32 @!p0 $0x1BF5;
	p2 =	por !p2, p0  }
0x20: {  	[sflag:s8] =	ssyncset.s32 @!p0 $0xFFFFF086;
	s6 =	sadd.s32 @!p0 s3, s7;
	s7 =	simm.s32 @!p0 $0x108  }
0x21: {  	s3 =	sadd.s32 s3, s9;
	s6 =	sadd.s32 @!p0 $0x88, s6;
	s7 =	simm.s32 @p2 $0x1082  }
0x22: {  	[simem:s7], [sflag:s8] =	dma.local @!p0 [hbm:s6], $0xF7A  }
0x23: {  	s9 =	sor.u32 $0xD0000000, s2;
	s6 =	simm.s32 $0x108;
	_ =	swait.ge @!p0 [sflag:s8], $0x0  }
0x24: {  	s3 =	sadd.s32 $0x88, s3;
	s6 =	simm.s32 @!p1 $0x1082;
	[sflag:s4] =	ssyncset.s32 $0xFFFFF086  }
0x25: {  	[simem:s6], [sflag:s4] =	dma.local [hbm:s3], $0xF7A  }
0x26: {  	[smem:$0x3F9E] =	sst s1;
	(tag) =	ssettag s2;
	_ =	strace s9  }
0x27: {  	s1 =	sld [smem:$0x3FAE]  }
0x28: {  	s2 =	sld [smem:$0x3FAF]  }
0x29: {  	s4 =	sld [smem:$0x3FB1]  }
0x2a: {  	p0 =	seq.s32 s5, $0x0;
	s5 =	sld [smem:$0x3FB2]  }
0x2b: {  	s6 =	sld [smem:$0x3FB3]  }
0x2c: {  	s7 =	sld [smem:$0x3FB4]  }
0x2d: {  	s3 =	simm.s32 $0x108;
	s8 =	sld [smem:$0x3FB5]  }
0x2e: {  	s3 =	simm.s32 @!p0 $0x1082;
	s9 =	sld [smem:$0x3FB6]  }
0x2f: {  	lr =	sadd.s32 s0, s3;
	s0 =	sld [smem:$0x3FAD]  }
0x30: {  	s3 =	sld [smem:$0x3FB0]  }
0x31: {  	[smem:$0x3FB9] =	sst s10  }
0x32: {  	s10 =	sld [smem:$0x3FB7];
	_ =	sdelay $0x3  }
0x33: {  	p0 =	seq.s32 s10, $0x1;
	s10 =	sld [smem:$0x3FB9];
	_ =	sdelay $0x3  }
0x34: {  	[smem:$0x3FB9] =	sst s10  }
0x35: {  	s10 =	sld [smem:$0x3FB8];
	_ =	sdelay $0x3  }
0x36: {  	p1 =	seq.s32 s10, $0x1;
	s10 =	sld [smem:$0x3FB9];
	_ =	sdelay $0x3  }
0x37: {  	[smem:$0x3FB9] =	sst s10  }
0x38: {  	s10 =	sld [smem:$0x3FBA]  }
0x39: {  	_ = 	snop;
	(pc) =	sbr.ind lr, $3  }
0x3a: {  	_ = 	snop  }
0x3b: {  	_ = 	snop  }
0x3c: {  	p2 =	seq.s32 s10, $0x1;
	s10 =	sld [smem:$0x3FB9]  }
0x3d: {  	_ =	shalt  }
0x3e: {  	_ =	shalt  }
0x3f: {  	_ =	shalt  }
0x40: {  	_ =	shalt  }
0x41: {  	_ =	shalt  }
0x42: {  	_ =	shalt  }
0x43: {  	_ =	shalt  }
0x44: {  	_ =	shalt  }
0x45: {  	_ =	shalt  }
0x46: {  	_ =	shalt  }
0x47: {  	_ =	shalt  }
0x48: {  	_ =	shalt  }
0x49: {  	_ =	shalt  }
0x4a: {  	_ =	shalt  }
0x4b: {  	_ =	shalt  }
0x4c: {  	_ =	shalt  }
0x4d: {  	_ =	shalt  }
0x4e: {  	_ =	shalt  }
0x4f: {  	_ =	shalt  }
0x50: {  	_ =	shalt  }
0x51: {  	_ =	shalt  }
0x52: {  	_ =	shalt  }
0x53: {  	_ =	shalt  }
0x54: {  	_ =	shalt  }
0x55: {  	_ =	shalt  }
0x56: {  	_ =	shalt  }
0x57: {  	_ =	shalt  }
0x58: {  	_ =	shalt  }
0x59: {  	_ =	shalt  }
0x5a: {  	_ =	shalt  }
0x5b: {  	_ =	shalt  }
0x5c: {  	_ =	shalt  }
0x5d: {  	_ =	shalt  }
0x5e: {  	_ =	shalt  }
0x5f: {  	_ =	shalt  }
0x60: {  	_ =	shalt  }
0x61: {  	_ =	shalt  }
0x62: {  	_ =	shalt  }
0x63: {  	_ =	shalt  }
0x64: {  	_ =	shalt  }
0x65: {  	_ =	shalt  }
0x66: {  	_ =	shalt  }
0x67: {  	_ =	shalt  }
0x68: {  	_ =	shalt  }
0x69: {  	_ =	shalt  }
0x6a: {  	_ =	shalt  }
0x6b: {  	_ =	shalt  }
0x6c: {  	_ =	shalt  }
0x6d: {  	_ =	shalt  }
0x6e: {  	_ =	shalt  }
0x6f: {  	_ =	shalt  }
0x70: {  	_ =	shalt  }
0x71: {  	_ =	shalt  }
0x72: {  	_ =	shalt  }
0x73: {  	_ =	shalt  }
0x74: {  	_ =	shalt  }
0x75: {  	_ =	shalt  }
0x76: {  	_ =	shalt  }
0x77: {  	_ =	shalt  }
0x78: {  	_ =	shalt  }
0x79: {  	_ =	shalt  }
0x7a: {  	_ =	shalt  }
0x7b: {  	_ =	shalt  }
0x7c: {  	_ =	shalt  }
0x7d: {  	_ =	shalt  }
0x7e: {  	_ =	shalt  }
0x7f: {  	_ =	shalt  }
0x80: {  	_ =	shalt  }
0x81: {  	_ =	shalt  }
0x82: {  	_ =	shalt  }
0x83: {  	_ =	shalt  }
0x84: {  	_ =	shalt  }
0x85: {  	_ =	shalt  }
0x86: {  	_ =	shalt  }
0x87: {  	_ =	shalt  }
.Lfunc_end0:
.L_simem_size_0:
called_computation_lowered:
.L_overlay_start_0:
0x88: {  	s2 =	sld [smem:$0x3FD9]  }
0x89: {  	s3 =	sld [smem:$0x3FFE];
	_ =	sdelay $0x1  }
0x8a: {  	s1 =	srdreg.scid  }
0x8b: {  	s0 =	sand.u32 $0x1, s1  }
0x8c: {  	s17 =	sshll.u32 s0, $0xA;
	s2 =	sadd.s32 s3, s2  }
0x8d: {  	s2 =	sadd.s32 s2, s17  }
0x8e: {  	[smem:$0x3FC5] =	sst s2  }
0x8f: {  	_ = 	snop  }
0x90: {  	s2 =	sld [smem:$0x3FC7]  }
0x91: {  	s18 =	sld [smem:$0x3FD0];
	(tm) =	ssettm $0x1  }
0x92: {  	s4 =	sld [smem:$0x3FFB];
	_ =	sdelay $0x3  }
0x93: {  	_ =	strace s4  }
0x94: {  	s4 =	sld [smem:$0x3FFC];
	_ =	sdelay $0x3  }
0x95: {  	_ =	strace s4  }
0x96: {  	s4 =	sld [smem:$0x3FFD];
	_ =	sdelay $0x3  }
0x97: {  	_ =	strace s4  }
0x98: {  	_ =	strace $0x8FFFFFFF  }
0x99: {  	s19 =	sld [smem:$0x3FDB];
	_ =	sdelay $0x1  }
0x9a: {  	s5 =	simm.s32 $_scs_section_size  }
0x9b: {  	s6 =	simm.s32 $_size__tile_overlayer_lowered;
	s7 =	simm.s32 $_tile_overlayer_lowered  }
0x9c: {  	s22 =	simm.s32 $0x1BFF;
	s21 =	sshll.u32 s7, $0x1;
	s4 =	sadd.s32 s5, s19  }
0x9d: {  	s8 =	simm.s32 $0x0;
	s20 =	sshll.u32 s6, $0x1;
	s6 =	sadd.s32 s21, s4  }
0x9e: {  	[timem:s8], [sflag:s22] =	dma.local [hbm:s6], s20  }
0x9f: {  	_ =	swait.ge [sflag:s22], s20  }
0xa0: {  	s5 =	ssub.s32 $0x0, s20;
	[sflag:s22] =	ssyncset.done $0x0  }
0xa1: {  	[sflag:s22] =	ssyncadd.s32 s5;
	_ =	sdelay $0x1  }
0xa2: {  	s23 =	simm.s32 $0x1B8B  }
0xa3: {  	_ =	swait.ge [sflag:s23], $0x1  }
0xa4: {  	[sflag:s23] =	ssyncset.done $0x0  }
0xa5: {  	s25 =	simm.s32 $0x1B8E;
	s24 =	sld [smem:$0x3FFE];
	[sflag:s23] =	ssyncadd.s32 $0xFFFFFFFF  }
0xa6: {  	s26 =	simm.s32 $execute0_lowered;
	[smem:$0x3FD2] =	sst s25  }
0xa7: {  	s6 =	sshll.u32 s26, $0x1;
	_ =	strace $0x80000046;
	[dreg:$0x1] =	wrdreg $0xFFFFFFFF  }
0xa8: {  	s28 =	simm.s32 $_size_execute0_lowered;
	s4 =	sadd.s32 s4, s6;
	[dreg:$0x0] =	wrdreg $0x0  }
0xa9: {  	s6 =	sshll.u32 s28, $0x1;
	[dreg:$0x2] =	wrdreg s4  }
0xaa: {  	[dreg:$0x3] =	wrdreg s6  }
0xab: {  	[dreg:$0x4] =	wrdreg $0xC0  }
0xac: {  	_ =	task [dreg:s8], $0x5FFFF  }
0xad: {  	[dreg:$0x1] =	wrdreg $0xFFFFFFFF  }
0xae: {  	[dreg:$0x0] =	wrdreg $0x60  }
0xaf: {  	[dreg:$0x2] =	wrdreg s24  }
0xb0: {  	[dreg:$0x3] =	wrdreg s2  }
0xb1: {  	[dreg:$0x4] =	wrdreg s18  }
0xb2: {  	[dreg:$0x5] =	wrdreg $0x9  }
0xb3: {  	_ =	task.clear_ibuf [dreg:s8], $0x6FFFF;
	_ =	strace $0x90000046  }
0xb4: {  	s29 =	simm.s32 $0x9;
	_ =	strace $0x80000048  }
0xb5: {  	_ =	swait.ge [sflag:s29], $0x1  }
0xb6: {  	[sflag:s29] =	ssyncadd.s32 $0xFFFFFFFF  }
0xb7: {  	_ =	strace $0x90000048  }
0xb8: {  	_ =	sfence  }
0xb9: {  	s30 =	sld [smem:$0x0];
	_ =	sdelay $0x2  }
0xba: {  	s31 =	sshll.u32 s1, $0xD;
	s1 =	sshrl.u32 s1, $0x2  }
0xbb: {  	s3 =	sand.u32 $0x4000, s31;
	s1 =	sadd.s32 s1, s30  }
0xbc: {  	s0 =	sor.u32 s3, s0;
	s1 =	sshll.u32 s1, $0x11  }
0xbd: {  	s0 =	sor.u32 s1, s0  }
0xbe: {  	s0 =	sadd.s32 $0x8F2B, s0  }
0xbf: {  	[sflag:s0] =	ssyncadd.remote.s32 $0x1  }
0xc0: {  	_ =	sfence.sel $0xFFFF  }
0xc1: {  	[dreg:$0x0] =	wrdreg $0xFFFFFFFF;
	(pc) =	sbr.abs _section_cstart, $3  }
0xc2: {  	[dreg:$0x1] =	wrdreg $0xFFFFFFFF  }
0xc3: {  	_ =	task.clear_ibuf [dreg:s8], $0x2FFFF;
	_ =	strace $0x9FFFFFFF  }
0xc4: {  	(tm) =	ssettm $0x7FFFFFFF  }
0xc5: {  	_ =	shalt  }
tec
execute0_lowered:
.L_overlay_start_1:
0x0: {  	(tag) =	ssettag $0x1  }
0x1: {  	s0 =	rddreg [dreg:$0x0]  }
0x2: {  	s1 =	rddreg [dreg:$0x2];
	s2 =	srdreg.scid  }
0x3: {  	s3 =	simm.s32 $0x0;
	s4 =	stileid.u32;
	s2 =	sand.u32 $0x1, s2  }
0x4: {  	s7 =	simm.s32 $0x2;
	s4 =	sshll.u32 s4, $0x7;
	s5 =	sshll.u32 s2, $0x6  }
0x5: {  	s8 =	simm.s32 $0x3;
	s9 =	simm.s32 $0x4;
	s5 =	sor.u32 s5, s4  }
0x6: {  	s10 =	simm.s32 $0x6800;
	[smem:$0x7FF] =	sst s3;
	s6 =	sadd.s32 s5, s0  }
0x7: {  	s11 =	simm.s32 $0x0;
	_ =	strace $0x80000047;
	s16 =	sadd.s32 $0x600, s6  }
0x8: {  	s2 =	ssub.s32 $0x2, s2;
	s17 =	sadd.s32 $0xE00, s6;
	[dreg:$0x4] =	wrdreg s16  }
0x9: {  	s4 =	sadd.s32 $0x10600, s0;
	s18 =	sadd.s32 $0x1600, s6;
	[dreg:$0x5] =	wrdreg s17  }
0xa: {  	s15 =	sshrl.u32 s2, $0x1;
	s19 =	sadd.s32 $0x1E00, s6;
	[dreg:$0x6] =	wrdreg s18  }
0xb: {  	s2 =	ssub.s32 s2, s15;
	s20 =	sadd.s32 $0x2600, s6;
	[dreg:$0x7] =	wrdreg s19  }
0xc: {  	s21 =	sadd.s32 $0x2E00, s6;
	s22 =	sadd.s32 $0x3600, s6;
	[dreg:$0x8] =	wrdreg s20  }
0xd: {  	s23 =	sadd.s32 $0x3E00, s6;
	s24 =	sadd.s32 $0x4600, s6;
	[dreg:$0x9] =	wrdreg s21  }
0xe: {  	s25 =	sadd.s32 $0x4E00, s6;
	s26 =	sadd.s32 $0x5600, s6;
	[dreg:$0xa] =	wrdreg s22  }
0xf: {  	s28 =	sadd.s32 $0xAE00, s6;
	s29 =	sadd.s32 $0xB600, s6;
	[dreg:$0xb] =	wrdreg s23  }
0x10: {  	s30 =	sadd.s32 $0xBE00, s6;
	s31 =	sadd.s32 $0xC600, s6;
	[dreg:$0xc] =	wrdreg s24  }
0x11: {  	s0 =	sadd.s32 $0xCE00, s6;
	s2 =	smax.u32 s2, $0x1;
	[dreg:$0xd] =	wrdreg s25  }
0x12: {  	[dreg:$0xe] =	wrdreg s26;
	s16 =	sadd.s32 $0x5E00, s6;
	s17 =	sadd.s32 $0x6600, s6  }
0x13: {  	s18 =	sadd.s32 $0x6E00, s6;
	s19 =	sadd.s32 $0x7600, s6;
	s20 =	sadd.s32 $0x7E00, s6  }
0x14: {  	s21 =	sadd.s32 $0x8600, s6;
	s22 =	sadd.s32 s1, s5;
	s23 =	sadd.s32 $0x8E00, s6  }
0x15: {  	s24 =	sadd.s32 $0x9600, s6;
	s25 =	sadd.s32 $0x9E00, s6;
	s26 =	sadd.s32 $0xA600, s6  }
0x16: {  	v0 =	vimm.f32 $0.0e+00;
	s1 =	simm.s32 $0x1A00;
	s5 =	simm.s32 $0x5;
	s6 =	simm.s32 $0x1  }
.LBB2_1:
0x17: {  	s12 =	rddreg [dreg:$0x4]  }
0x18: {  	[tilespmem:s3], [sflag:$0x1] =	stream.linear.gather [hbm4b:s12+s3], $0x200, $0x38;
	[tilespmem:$0x6A80] =	vst v63  }
0x19: {  	s15 =	rddreg [dreg:$0x5];
	s13 =	simm.s32 $0x200  }
0x1a: {  	[tilespmem:s13], [sflag:$0x1] =	stream.linear.gather [hbm4b:s15+s3], $0x200, $0x38;
	[tilespmem:$0x6A80] =	vst v63  }
0x1b: {  	s14 =	rddreg [dreg:$0x6];
	s15 =	simm.s32 $0x400  }
0x1c: {  	[tilespmem:s15], [sflag:$0x1] =	stream.linear.gather [hbm4b:s14+s3], $0x200, $0x38;
	[tilespmem:$0x6A80] =	vst v63  }
0x1d: {  	s14 =	rddreg [dreg:$0x7];
	s15 =	simm.s32 $0x600  }
0x1e: {  	[tilespmem:s15], [sflag:$0x1] =	stream.linear.gather [hbm4b:s14+s3], $0x200, $0x38;
	[tilespmem:$0x6A80] =	vst v63  }
0x1f: {  	s14 =	rddreg [dreg:$0x8];
	s15 =	simm.s32 $0x800  }
0x20: {  	[tilespmem:s15], [sflag:$0x1] =	stream.linear.gather [hbm4b:s14+s3], $0x200, $0x38;
	[tilespmem:$0x6A80] =	vst v63  }
0x21: {  	s14 =	rddreg [dreg:$0x9];
	s15 =	simm.s32 $0xA00  }
0x22: {  	[tilespmem:s15], [sflag:$0x1] =	stream.linear.gather [hbm4b:s14+s3], $0x200, $0x38;
	[tilespmem:$0x6A80] =	vst v63  }
0x23: {  	s14 =	rddreg [dreg:$0xa];
	s15 =	simm.s32 $0xC00  }
0x24: {  	[tilespmem:s15], [sflag:$0x1] =	stream.linear.gather [hbm4b:s14+s3], $0x200, $0x38;
	[tilespmem:$0x6A80] =	vst v63  }
0x25: {  	s14 =	rddreg [dreg:$0xb];
	s15 =	simm.s32 $0xE00  }
0x26: {  	[tilespmem:s15], [sflag:$0x1] =	stream.linear.gather [hbm4b:s14+s3], $0x200, $0x38;
	[tilespmem:$0x6A80] =	vst v63  }
0x27: {  	s14 =	rddreg [dreg:$0xc];
	s15 =	simm.s32 $0x1000  }
0x28: {  	[tilespmem:s15], [sflag:$0x1] =	stream.linear.gather [hbm4b:s14+s3], $0x200, $0x38;
	[tilespmem:$0x6A80] =	vst v63  }
0x29: {  	s14 =	rddreg [dreg:$0xd];
	s15 =	simm.s32 $0x1200  }
0x2a: {  	[tilespmem:s15], [sflag:$0x1] =	stream.linear.gather [hbm4b:s14+s3], $0x200, $0x38;
	[tilespmem:$0x6A80] =	vst v63  }
0x2b: {  	s14 =	rddreg [dreg:$0xe];
	s15 =	simm.s32 $0x1400  }
0x2c: {  	[tilespmem:s15], [sflag:$0x1] =	stream.linear.gather [hbm4b:s14+s3], $0x200, $0x38;
	[tilespmem:$0x6A80] =	vst v63  }
0x2d: {  	s14 =	simm.s32 $0x1600  }
0x2e: {  	[tilespmem:s14], [sflag:$0x1] =	stream.linear.gather [hbm4b:s16+s3], $0x200, $0x38;
	[tilespmem:$0x6A80] =	vst v63  }
0x2f: {  	s15 =	simm.s32 $0x1800  }
0x30: {  	[tilespmem:s15], [sflag:$0x1] =	stream.linear.gather [hbm4b:s17+s3], $0x200, $0x38;
	[tilespmem:$0x6A80] =	vst v63  }
0x31: {  	_ = 	snop  }
0x32: {  	[tilespmem:s1], [sflag:$0x2] =	stream.linear.gather [hbm4b:s18+s3], $0x200, $0x38;
	[tilespmem:$0x6A80] =	vst v63  }
0x33: {  	s13 =	simm.s32 $0x1C00  }
0x34: {  	[tilespmem:s13], [sflag:$0x2] =	stream.linear.gather [hbm4b:s19+s3], $0x200, $0x38;
	[tilespmem:$0x6A80] =	vst v63  }
0x35: {  	s14 =	simm.s32 $0x1E00  }
0x36: {  	[tilespmem:s14], [sflag:$0x2] =	stream.linear.gather [hbm4b:s20+s3], $0x200, $0x38;
	[tilespmem:$0x6A80] =	vst v63  }
0x37: {  	s15 =	simm.s32 $0x2000  }
0x38: {  	[tilespmem:s15], [sflag:$0x2] =	stream.linear.gather [hbm4b:s21+s3], $0x200, $0x38;
	[tilespmem:$0x6A80] =	vst v63  }
0x39: {  	s13 =	simm.s32 $0x2200  }
0x3a: {  	[tilespmem:s13], [sflag:$0x2] =	stream.linear.gather [hbm4b:s23+s3], $0x200, $0x38;
	[tilespmem:$0x6A80] =	vst v63  }
0x3b: {  	s14 =	simm.s32 $0x2400  }
0x3c: {  	[tilespmem:s14], [sflag:$0x2] =	stream.linear.gather [hbm4b:s24+s3], $0x200, $0x38;
	[tilespmem:$0x6A80] =	vst v63  }
0x3d: {  	s15 =	simm.s32 $0x2600  }
0x3e: {  	[tilespmem:s15], [sflag:$0x2] =	stream.linear.gather [hbm4b:s25+s3], $0x200, $0x38;
	[tilespmem:$0x6A80] =	vst v63  }
0x3f: {  	s13 =	simm.s32 $0x2800  }
0x40: {  	[tilespmem:s13], [sflag:$0x2] =	stream.linear.gather [hbm4b:s26+s3], $0x200, $0x38;
	[tilespmem:$0x6A80] =	vst v63  }
0x41: {  	s14 =	simm.s32 $0x2A00  }
0x42: {  	[tilespmem:s14], [sflag:$0x2] =	stream.linear.gather [hbm4b:s28+s3], $0x200, $0x38;
	[tilespmem:$0x6A80] =	vst v63  }
0x43: {  	s15 =	simm.s32 $0x2C00  }
0x44: {  	[tilespmem:s15], [sflag:$0x2] =	stream.linear.gather [hbm4b:s29+s3], $0x200, $0x38;
	[tilespmem:$0x6A80] =	vst v63  }
0x45: {  	s13 =	simm.s32 $0x2E00  }
0x46: {  	[tilespmem:s13], [sflag:$0x2] =	stream.linear.gather [hbm4b:s30+s3], $0x200, $0x38;
	[tilespmem:$0x6A80] =	vst v63  }
0x47: {  	s14 =	simm.s32 $0x3000  }
0x48: {  	[tilespmem:s14], [sflag:$0x2] =	stream.linear.gather [hbm4b:s31+s3], $0x200, $0x38;
	[tilespmem:$0x6A80] =	vst v63  }
0x49: {  	s15 =	simm.s32 $0x3200  }
0x4a: {  	[tilespmem:s15], [sflag:$0x2] =	stream.linear.gather [hbm4b:s0+s3], $0x200, $0x38;
	[tilespmem:$0x6A80] =	vst v63  }
0x4b: {  	s13 =	rddreg [dreg:$0x1];
	s14 =	simm.s32 $0x6A00;
	[tilespmem:$0x6A00] =	vst v0  }
0x4c: {  	[tilespmem:s14], [sflag:$0x5] =	stream.linear.gather [hbm4b:s13+s3], $0x1, $0x38;
	[tilespmem:$0x6A80] =	vst v63  }
0x4d: {  	_ =	swait.ge [sflag:s5], $0x1  }
0x4e: {  	[sflag:s5] =	ssyncset.done $0x0  }
0x4f: {  	[sflag:s5] =	ssyncadd.s32 $0xFFFFFFFF  }
0x50: {  	_ =	swait.ge [sflag:s6], $0x200  }
0x51: {  	[sflag:s6] =	ssyncset.done $0x0  }
0x52: {  	[sflag:s6] =	ssyncadd.s32 $0xFFFFFE00  }
0x53: {  	_ =	swait.ge [sflag:s6], $0x200  }
0x54: {  	[sflag:s6] =	ssyncset.done $0x0  }
0x55: {  	[sflag:s6] =	ssyncadd.s32 $0xFFFFFE00  }
0x56: {  	_ =	swait.ge [sflag:s6], $0x200  }
0x57: {  	[sflag:s6] =	ssyncset.done $0x0  }
0x58: {  	[sflag:s6] =	ssyncadd.s32 $0xFFFFFE00  }
0x59: {  	_ =	swait.ge [sflag:s6], $0x200  }
0x5a: {  	[sflag:s6] =	ssyncset.done $0x0  }
0x5b: {  	[sflag:s6] =	ssyncadd.s32 $0xFFFFFE00  }
0x5c: {  	_ =	swait.ge [sflag:s6], $0x200  }
0x5d: {  	[sflag:s6] =	ssyncset.done $0x0  }
0x5e: {  	[sflag:s6] =	ssyncadd.s32 $0xFFFFFE00  }
0x5f: {  	_ =	swait.ge [sflag:s6], $0x200  }
0x60: {  	[sflag:s6] =	ssyncset.done $0x0  }
0x61: {  	[sflag:s6] =	ssyncadd.s32 $0xFFFFFE00  }
0x62: {  	_ =	swait.ge [sflag:s6], $0x200  }
0x63: {  	[sflag:s6] =	ssyncset.done $0x0  }
0x64: {  	[sflag:s6] =	ssyncadd.s32 $0xFFFFFE00  }
0x65: {  	_ =	swait.ge [sflag:s6], $0x200  }
0x66: {  	[sflag:s6] =	ssyncset.done $0x0  }
0x67: {  	[sflag:s6] =	ssyncadd.s32 $0xFFFFFE00  }
0x68: {  	_ =	swait.ge [sflag:s6], $0x200  }
0x69: {  	[sflag:s6] =	ssyncset.done $0x0  }
0x6a: {  	[sflag:s6] =	ssyncadd.s32 $0xFFFFFE00  }
0x6b: {  	_ =	swait.ge [sflag:s6], $0x200  }
0x6c: {  	[sflag:s6] =	ssyncset.done $0x0  }
0x6d: {  	[sflag:s6] =	ssyncadd.s32 $0xFFFFFE00  }
0x6e: {  	_ =	swait.ge [sflag:s6], $0x200  }
0x6f: {  	[sflag:s6] =	ssyncset.done $0x0  }
0x70: {  	[sflag:s6] =	ssyncadd.s32 $0xFFFFFE00  }
0x71: {  	_ =	swait.ge [sflag:s6], $0x200  }
0x72: {  	[sflag:s6] =	ssyncset.done $0x0  }
0x73: {  	[sflag:s6] =	ssyncadd.s32 $0xFFFFFE00  }
0x74: {  	_ =	swait.ge [sflag:s6], $0x200  }
0x75: {  	[sflag:s6] =	ssyncset.done $0x0  }
0x76: {  	s12 =	simm.s32 $0x3400;
	[sflag:s6] =	ssyncadd.s32 $0xFFFFFE00  }
0x77: {  	[tilespmem:s12], [sflag:$0x3] =	stream.indirect.gather [hbm4b:s4+s1], $0x1, s3, s1, $0xb8;
	[tilespmem:$0x6A80] =	vst v63  }
0x78: {  	_ =	swait.ge [sflag:s7], $0x200  }
0x79: {  	[sflag:s7] =	ssyncset.done $0x0  }
0x7a: {  	[sflag:s7] =	ssyncadd.s32 $0xFFFFFE00  }
0x7b: {  	_ =	swait.ge [sflag:s7], $0x200  }
0x7c: {  	[sflag:s7] =	ssyncset.done $0x0  }
0x7d: {  	[sflag:s7] =	ssyncadd.s32 $0xFFFFFE00  }
0x7e: {  	_ =	swait.ge [sflag:s7], $0x200  }
0x7f: {  	[sflag:s7] =	ssyncset.done $0x0  }
0x80: {  	[sflag:s7] =	ssyncadd.s32 $0xFFFFFE00  }
0x81: {  	_ =	swait.ge [sflag:s7], $0x200  }
0x82: {  	[sflag:s7] =	ssyncset.done $0x0  }
0x83: {  	[sflag:s7] =	ssyncadd.s32 $0xFFFFFE00  }
0x84: {  	_ =	swait.ge [sflag:s7], $0x200  }
0x85: {  	[sflag:s7] =	ssyncset.done $0x0  }
0x86: {  	[sflag:s7] =	ssyncadd.s32 $0xFFFFFE00  }
0x87: {  	_ =	swait.ge [sflag:s7], $0x200  }
0x88: {  	[sflag:s7] =	ssyncset.done $0x0  }
0x89: {  	[sflag:s7] =	ssyncadd.s32 $0xFFFFFE00  }
0x8a: {  	_ =	swait.ge [sflag:s7], $0x200  }
0x8b: {  	[sflag:s7] =	ssyncset.done $0x0  }
0x8c: {  	[sflag:s7] =	ssyncadd.s32 $0xFFFFFE00  }
0x8d: {  	_ =	swait.ge [sflag:s7], $0x200  }
0x8e: {  	[sflag:s7] =	ssyncset.done $0x0  }
0x8f: {  	[sflag:s7] =	ssyncadd.s32 $0xFFFFFE00  }
0x90: {  	_ =	swait.ge [sflag:s7], $0x200  }
0x91: {  	[sflag:s7] =	ssyncset.done $0x0  }
0x92: {  	[sflag:s7] =	ssyncadd.s32 $0xFFFFFE00  }
0x93: {  	_ =	swait.ge [sflag:s7], $0x200  }
0x94: {  	[sflag:s7] =	ssyncset.done $0x0  }
0x95: {  	[sflag:s7] =	ssyncadd.s32 $0xFFFFFE00  }
0x96: {  	_ =	swait.ge [sflag:s7], $0x200  }
0x97: {  	[sflag:s7] =	ssyncset.done $0x0  }
0x98: {  	[sflag:s7] =	ssyncadd.s32 $0xFFFFFE00  }
0x99: {  	_ =	swait.ge [sflag:s7], $0x200  }
0x9a: {  	[sflag:s7] =	ssyncset.done $0x0  }
0x9b: {  	[sflag:s7] =	ssyncadd.s32 $0xFFFFFE00  }
0x9c: {  	_ =	swait.ge [sflag:s7], $0x200  }
0x9d: {  	[sflag:s7] =	ssyncset.done $0x0  }
0x9e: {  	s15 =	simm.s32 $0x4E00;
	[sflag:s7] =	ssyncadd.s32 $0xFFFFFE00  }
0x9f: {  	[tilespmem:s15], [sflag:$0x4] =	stream.indirect.gather [hbm4b:s4+s1], $0x1, s1, s1, $0xb8;
	[tilespmem:$0x6A80] =	vst v63  }
0xa0: {  	v1 =	vld [tilespmem:$0x6A00];
	_ =	sdelay $0x4  }
0xa1: {  	(xrf2) =	vadd.scan.msk.f32 $0xffff, v1;
	_ =	sdelay $0x9  }
0xa2: {  	v1, _, _ =	vpop (xrf2)  }
0xa3: {  	_ =	swait.ge [sflag:s8], $0x1A00  }
0xa4: {  	[sflag:s8] =	ssyncset.done $0x0  }
0xa5: {  	s14 =	sand.u32 $0x1F0, s3;
	[sflag:s8] =	ssyncadd.s32 $0xFFFFE600  }
0xa6: {  	v2 =	vld [tilespmem:s14+$0x3600]  }
0xa7: {  	v3 =	vld [tilespmem:s12+$0x0];
	_ =	sdelay $0x1  }
0xa8: {  	v4 =	vld [tilespmem:s14+$0x3800];
	_ =	sdelay $0x1  }
0xa9: {  	v5 =	vld [tilespmem:s14+$0x3A00]  }
0xaa: {  	v2 =	vadd.f32 v2, v3  }
0xab: {  	v3 =	vld [tilespmem:s14+$0x3C00]  }
0xac: {  	v2 =	vadd.f32 v4, v2  }
0xad: {  	v58 =	vld [tilespmem:s14+$0x3E00]  }
0xae: {  	v2 =	vadd.f32 v5, v2  }
0xaf: {  	v59 =	vld [tilespmem:s14+$0x4000]  }
0xb0: {  	v2 =	vadd.f32 v3, v2  }
0xb1: {  	v3 =	vld [tilespmem:s14+$0x4200]  }
0xb2: {  	v2 =	vadd.f32 v58, v2  }
0xb3: {  	v60 =	vld [tilespmem:s14+$0x4400]  }
0xb4: {  	v2 =	vadd.f32 v59, v2  }
0xb5: {  	v61 =	vld [tilespmem:s14+$0x4600]  }
0xb6: {  	v2 =	vadd.f32 v3, v2  }
0xb7: {  	v3 =	vld [tilespmem:s14+$0x4800]  }
0xb8: {  	v2 =	vadd.f32 v60, v2  }
0xb9: {  	v62 =	vld [tilespmem:s14+$0x4A00]  }
0xba: {  	v2 =	vadd.f32 v61, v2  }
0xbb: {  	v63 =	vld [tilespmem:s14+$0x4C00]  }
0xbc: {  	v2 =	vadd.f32 v3, v2;
	_ =	sdelay $0x1  }
0xbd: {  	v2 =	vadd.f32 v62, v2;
	_ =	sdelay $0x1  }
0xbe: {  	v1 =	vbroadcast v1, $0xF;
	v2 =	vadd.f32 v63, v2;
	_ =	sdelay $0x1  }
0xbf: {  	v2 =	vadd.f32 v2, v1  }
0xc0: {  	s15 =	simm.s32 $0x10  }
0xc1: {  	s13 =	sand.u32 $0x1F0, s15;
	[tilespmem:s10+$0x0] =	vst v2  }
0xc2: {  	s15 =	simm.s32 $0x20;
	s12 =	simm.s32 $0x6800;
	s14 =	simm.s32 $0x3410;
	v2 =	vld [tilespmem:s13+$0x3600]  }
.LBB2_2:
0xc3: {  	p0 =	sne.s32 s15, $0x1F0;
	v3 =	vld [tilespmem:s14+$0x0];
	_ =	sdelay $0x1  }
0xc4: {  	v4 =	vld [tilespmem:s13+$0x3800];
	_ =	sdelay $0x1  }
0xc5: {  	v5 =	vld [tilespmem:s13+$0x3A00]  }
0xc6: {  	v2 =	vadd.f32 v2, v3  }
0xc7: {  	v3 =	vld [tilespmem:s13+$0x3C00]  }
0xc8: {  	v2 =	vadd.f32 v4, v2  }
0xc9: {  	v4 =	vld [tilespmem:s13+$0x3E00]  }
0xca: {  	v2 =	vadd.f32 v5, v2  }
0xcb: {  	v5 =	vld [tilespmem:s13+$0x4000]  }
0xcc: {  	v2 =	vadd.f32 v3, v2  }
0xcd: {  	v3 =	vld [tilespmem:s13+$0x4200]  }
0xce: {  	v2 =	vadd.f32 v4, v2  }
0xcf: {  	v4 =	vld [tilespmem:s13+$0x4400]  }
0xd0: {  	v2 =	vadd.f32 v5, v2  }
0xd1: {  	v5 =	vld [tilespmem:s13+$0x4600]  }
0xd2: {  	v2 =	vadd.f32 v3, v2  }
0xd3: {  	v3 =	vld [tilespmem:s13+$0x4800]  }
0xd4: {  	v2 =	vadd.f32 v4, v2  }
0xd5: {  	v4 =	vld [tilespmem:s13+$0x4A00]  }
0xd6: {  	v2 =	vadd.f32 v5, v2  }
0xd7: {  	v5 =	vld [tilespmem:s13+$0x4C00]  }
0xd8: {  	v2 =	vadd.f32 v3, v2;
	_ =	sdelay $0x1  }
0xd9: {  	v2 =	vadd.f32 v4, v2;
	_ =	sdelay $0x1  }
0xda: {  	v2 =	vadd.f32 v5, v2  }
.Ltmp0:
0xdb: {  	(pc) =	sbr.rel @p0 .LBB2_2-.Ltmp0, $4  }
0xdc: {  	v2 =	vadd.f32 v2, v1  }
0xdd: {  	s12 =	sadd.s32 $0x10, s12  }
0xde: {  	s13 =	sand.u32 $0x1F0, s15;
	[tilespmem:s12+$0x0] =	vst v2  }
0xdf: {  	s14 =	sadd.s32 $0x10, s14;
	s15 =	sadd.s32 $0x10, s15;
	v2 =	vld [tilespmem:s13+$0x3600]  }
0xe0: {  	v3 =	vld [tilespmem:s14+$0x0];
	_ =	sdelay $0x1  }
0xe1: {  	v4 =	vld [tilespmem:s13+$0x3800];
	_ =	sdelay $0x1  }
0xe2: {  	v5 =	vld [tilespmem:s13+$0x3A00]  }
0xe3: {  	v2 =	vadd.f32 v2, v3  }
0xe4: {  	v3 =	vld [tilespmem:s13+$0x3C00]  }
0xe5: {  	v2 =	vadd.f32 v4, v2  }
0xe6: {  	v54 =	vld [tilespmem:s13+$0x3E00]  }
0xe7: {  	v2 =	vadd.f32 v5, v2  }
0xe8: {  	v55 =	vld [tilespmem:s13+$0x4000]  }
0xe9: {  	v2 =	vadd.f32 v3, v2  }
0xea: {  	v3 =	vld [tilespmem:s13+$0x4200]  }
0xeb: {  	v2 =	vadd.f32 v54, v2  }
0xec: {  	v56 =	vld [tilespmem:s13+$0x4400]  }
0xed: {  	v2 =	vadd.f32 v55, v2  }
0xee: {  	v57 =	vld [tilespmem:s13+$0x4600]  }
0xef: {  	v2 =	vadd.f32 v3, v2  }
0xf0: {  	v3 =	vld [tilespmem:s13+$0x4800]  }
0xf1: {  	v2 =	vadd.f32 v56, v2  }
0xf2: {  	v58 =	vld [tilespmem:s13+$0x4A00]  }
0xf3: {  	v2 =	vadd.f32 v57, v2  }
0xf4: {  	v59 =	vld [tilespmem:s13+$0x4C00]  }
0xf5: {  	v2 =	vadd.f32 v3, v2;
	_ =	sdelay $0x1  }
0xf6: {  	v2 =	vadd.f32 v58, v2;
	_ =	sdelay $0x1  }
0xf7: {  	v2 =	vadd.f32 v59, v2;
	_ =	sdelay $0x1  }
0xf8: {  	v1 =	vadd.f32 v2, v1  }
0xf9: {  	s12 =	sadd.s32 $0x10, s12  }
0xfa: {  	[tilespmem:s12+$0x0] =	vst v1  }
0xfb: {  	_ =	swait.ge [sflag:s9], $0x1A00  }
0xfc: {  	s13 =	simm.s32 $0x0;
	[sflag:s9] =	ssyncset.done $0x0  }
0xfd: {  	s12 =	sand.u32 $0x1F0, s13;
	[sflag:s9] =	ssyncadd.s32 $0xFFFFE600  }
0xfe: {  	s14 =	simm.s32 $0x4E00;
	v1 =	vld [tilespmem:s12+$0x5000]  }
0xff: {  	v2 =	vld [tilespmem:s14+$0x0];
	_ =	sdelay $0x1  }
0x100: {  	v3 =	vld [tilespmem:s12+$0x5200];
	_ =	sdelay $0x1  }
0x101: {  	v60 =	vld [tilespmem:s12+$0x5400]  }
0x102: {  	v1 =	vadd.f32 v1, v2  }
0x103: {  	v2 =	vld [tilespmem:s12+$0x5600]  }
0x104: {  	v1 =	vadd.f32 v3, v1  }
0x105: {  	v3 =	vld [tilespmem:s12+$0x5800]  }
0x106: {  	v1 =	vadd.f32 v60, v1  }
0x107: {  	v61 =	vld [tilespmem:s12+$0x5A00]  }
0x108: {  	v1 =	vadd.f32 v2, v1  }
0x109: {  	v2 =	vld [tilespmem:s12+$0x5C00]  }
0x10a: {  	v1 =	vadd.f32 v3, v1  }
0x10b: {  	v3 =	vld [tilespmem:s12+$0x5E00]  }
0x10c: {  	v1 =	vadd.f32 v61, v1  }
0x10d: {  	v62 =	vld [tilespmem:s12+$0x6000]  }
0x10e: {  	v1 =	vadd.f32 v2, v1  }
0x10f: {  	v2 =	vld [tilespmem:s12+$0x6200]  }
0x110: {  	v1 =	vadd.f32 v3, v1  }
0x111: {  	v3 =	vld [tilespmem:s12+$0x6400]  }
0x112: {  	v1 =	vadd.f32 v62, v1  }
0x113: {  	v63 =	vld [tilespmem:s12+$0x6600]  }
0x114: {  	s12 =	simm.s32 $0x6800;
	v1 =	vadd.f32 v2, v1  }
0x115: {  	v2 =	vld [tilespmem:s12+$0x0]  }
0x116: {  	v1 =	vadd.f32 v3, v1;
	_ =	sdelay $0x1  }
0x117: {  	v1 =	vadd.f32 v63, v1;
	_ =	sdelay $0x1  }
0x118: {  	v1 =	vadd.f32 v1, v2  }
0x119: {  	s15 =	simm.s32 $0x10  }
0x11a: {  	s13 =	sand.u32 $0x1F0, s15;
	[tilespmem:s12+$0x0] =	vst v1  }
0x11b: {  	s15 =	simm.s32 $0x20;
	s14 =	simm.s32 $0x4E10;
	v1 =	vld [tilespmem:s13+$0x5000]  }
.LBB2_4:
0x11c: {  	p0 =	sne.s32 s15, $0x1F0;
	v2 =	vld [tilespmem:s14+$0x0];
	_ =	sdelay $0x1  }
0x11d: {  	v3 =	vld [tilespmem:s13+$0x5200];
	_ =	sdelay $0x1  }
0x11e: {  	v4 =	vld [tilespmem:s13+$0x5400]  }
0x11f: {  	v1 =	vadd.f32 v1, v2  }
0x120: {  	v2 =	vld [tilespmem:s13+$0x5600]  }
0x121: {  	v1 =	vadd.f32 v3, v1  }
0x122: {  	v3 =	vld [tilespmem:s13+$0x5800]  }
0x123: {  	v1 =	vadd.f32 v4, v1  }
0x124: {  	v4 =	vld [tilespmem:s13+$0x5A00]  }
0x125: {  	v1 =	vadd.f32 v2, v1  }
0x126: {  	v2 =	vld [tilespmem:s13+$0x5C00]  }
0x127: {  	v1 =	vadd.f32 v3, v1  }
0x128: {  	v3 =	vld [tilespmem:s13+$0x5E00]  }
0x129: {  	v1 =	vadd.f32 v4, v1  }
0x12a: {  	v4 =	vld [tilespmem:s13+$0x6000]  }
0x12b: {  	v1 =	vadd.f32 v2, v1  }
0x12c: {  	v2 =	vld [tilespmem:s13+$0x6200]  }
0x12d: {  	v1 =	vadd.f32 v3, v1  }
0x12e: {  	v3 =	vld [tilespmem:s13+$0x6400]  }
0x12f: {  	v1 =	vadd.f32 v4, v1  }
0x130: {  	v4 =	vld [tilespmem:s13+$0x6600]  }
0x131: {  	s12 =	sadd.s32 $0x10, s12;
	v1 =	vadd.f32 v2, v1  }
0x132: {  	v2 =	vld [tilespmem:s12+$0x0]  }
0x133: {  	v1 =	vadd.f32 v3, v1;
	_ =	sdelay $0x1  }
0x134: {  	v1 =	vadd.f32 v4, v1  }
.Ltmp1:
0x135: {  	(pc) =	sbr.rel @p0 .LBB2_4-.Ltmp1, $3  }
0x136: {  	v1 =	vadd.f32 v1, v2;
	_ =	sdelay $0x1  }
0x137: {  	s13 =	sand.u32 $0x1F0, s15;
	[tilespmem:s12+$0x0] =	vst v1  }
0x138: {  	s14 =	sadd.s32 $0x10, s14;
	s15 =	sadd.s32 $0x10, s15;
	v1 =	vld [tilespmem:s13+$0x5000]  }
0x139: {  	v2 =	vld [tilespmem:s14+$0x0];
	_ =	sdelay $0x1  }
0x13a: {  	v3 =	vld [tilespmem:s13+$0x5200];
	_ =	sdelay $0x1  }
0x13b: {  	v4 =	vld [tilespmem:s13+$0x5400]  }
0x13c: {  	v1 =	vadd.f32 v1, v2  }
0x13d: {  	v2 =	vld [tilespmem:s13+$0x5600]  }
0x13e: {  	v1 =	vadd.f32 v3, v1  }
0x13f: {  	v3 =	vld [tilespmem:s13+$0x5800]  }
0x140: {  	v1 =	vadd.f32 v4, v1  }
0x141: {  	v61 =	vld [tilespmem:s13+$0x5A00]  }
0x142: {  	v1 =	vadd.f32 v2, v1  }
0x143: {  	v2 =	vld [tilespmem:s13+$0x5C00]  }
0x144: {  	v1 =	vadd.f32 v3, v1  }
0x145: {  	v3 =	vld [tilespmem:s13+$0x5E00]  }
0x146: {  	v1 =	vadd.f32 v61, v1  }
0x147: {  	v62 =	vld [tilespmem:s13+$0x6000]  }
0x148: {  	v1 =	vadd.f32 v2, v1  }
0x149: {  	v2 =	vld [tilespmem:s13+$0x6200]  }
0x14a: {  	v1 =	vadd.f32 v3, v1  }
0x14b: {  	v3 =	vld [tilespmem:s13+$0x6400]  }
0x14c: {  	v1 =	vadd.f32 v62, v1  }
0x14d: {  	v63 =	vld [tilespmem:s13+$0x6600]  }
0x14e: {  	s12 =	sadd.s32 $0x10, s12;
	v1 =	vadd.f32 v2, v1  }
0x14f: {  	v2 =	vld [tilespmem:s12+$0x0]  }
0x150: {  	v1 =	vadd.f32 v3, v1;
	_ =	sdelay $0x1  }
0x151: {  	v1 =	vadd.f32 v63, v1;
	_ =	sdelay $0x1  }
0x152: {  	s11 =	sadd.s32 $0x1, s11;
	v1 =	vadd.f32 v1, v2  }
0x153: {  	p0 =	sne.s32 s11, s2  }
.Ltmp2:
0x154: {  	[tilespmem:s12+$0x0] =	vst v1;
	(pc) =	sbr.rel @p0 .LBB2_1-.Ltmp2, $4  }
0x155: {  	[hbm4b:s22+s3] =	stream.linear.scatter [tilespmem:s10], [sflag:$0x5], $0x200, $0x38;
	[tilespmem:$0x6A80] =	vst v63  }
0x156: {  	_ =	swait.ge [sflag:s5], $0x200  }
0x157: {  	[sflag:s5] =	ssyncset.done $0x0  }
0x158: {  	[sflag:s5] =	ssyncadd.s32 $0xFFFFFE00  }
0x159: {  	_ =	sfence.sel $0x180000  }
0x15a: {  	[bflag:$0x0] =	sbarrier.arrive $0xFFFF  }
0x15b: {  	_ =	strace $0x90000047  }
0x15c: {  	s0 =	stileid.u32;
	[bflag:$0x2] =	sbarrier.arrive $0xFFFF  }
0x15d: {  	p0 =	sne.s32 s0, $0x0;
	s0 =	rddreg [dreg:$0x3]  }
0x15e: {  	s0 =	sadd.s32 @!p0 $0x100000, s0  }
0x15f: {  	[sflag:s0] =	ssyncadd.tile.s32 @!p0 $0x1;
	_ =	shalt  }
.Lfunc_end2:
_tile_overlayer_lowered:
.L_overlay_start_2:
0x160: {  	(tag) =	ssettag $0x2  }
0x161: {  	s0 =	rddreg [dreg:$0x0];
	s2 =	stileid.u32  }
0x162: {  	s1 =	rddreg [dreg:$0x1];
	p0 =	sne.s32 s2, $0x0  }
0x163: {  	s3 =	rddreg [dreg:$0x2];
	[bflag:$0x3] =	sbarrier.arrive $0xFFFF;
	s2 =	simm.s32 @!p0 $0x1C05  }
0x164: {  	[timem:s3], [sflag:s2] =	dma.local @!p0 [hbm:s0], s1  }
0x165: {  	s0 =	simm.s32 @!p0 $0x5  }
0x166: {  	_ =	swait.ge @!p0 [sflag:s0], s1  }
0x167: {  	s1 =	ssub.s32 @!p0 $0x0, s1;
	[sflag:s0] =	ssyncset.done @!p0 $0x0  }
0x168: {  	[sflag:s0] =	ssyncadd.s32 @!p0 s1  }
0x169: {  	[bflag:$0x3] =	sbarrier.arrive $0xFFFF  }
0x16a: {  	_ =	shalt  }

</sc_bundles>
